<compile_context>
chip_gen: v7x
topology: tpu7x:2x2x1
jax: 0.10.2.dev20260603
libtpu: 0.0.44.dev20260713+nightly
codegen_flags: <defaults>
</compile_context>

<pallas_src>
import jax
import jax.numpy as jnp
from jax import lax
from jax.experimental import pallas as pl
from jax.experimental.pallas import tpu as pltpu
from jax.experimental.pallas import tpu_sc as plsc

N = 10000
E = 320000
D = 128
N_CLS = 121

NC = 2
NS = 16
NW = NC * NS
EPT = E // NW
CH = 128
EPTP = 10240
NCHUNK = EPTP // CH
IB = 40
NB = NCHUNK // IB
NP = 10240
RPT = NP // NS
ZR = 16

_sc_mesh = plsc.VectorSubcoreMesh(core_axis_name="c", subcore_axis_name="s")


def _sc_segsum(y, edges):

    def body(y_hbm, e_hbm, out_hbm, src_v, dst_v, rows0, rows1, zbuf, acc,
             sem0, sem1):
        c = lax.axis_index("c")
        s = lax.axis_index("s")
        wid = c * NS + s
        row0 = s * RPT

        @pl.loop(0, ZR)
        def _(r):
            @pl.loop(0, D, step=16)
            def _(col):
                zbuf[r, pl.ds(col, 16)] = jnp.zeros((16,), jnp.float32)

        @pl.loop(0, RPT, step=ZR)
        def _(r0):
            pltpu.sync_copy(zbuf, acc.at[pl.ds(row0 + r0, ZR)])

        plsc.subcore_barrier()

        @pl.loop(0, NB)
        def _(b):
            pltpu.sync_copy(e_hbm.at[0, wid, pl.ds(b * IB, IB)], src_v)
            pltpu.sync_copy(e_hbm.at[1, wid, pl.ds(b * IB, IB)], dst_v)
            pltpu.async_copy(y_hbm.at[src_v.at[0]], rows0, sem0)

            @pl.loop(0, IB // 2)
            def _(i):
                j0 = 2 * i
                j1 = j0 + 1
                pltpu.async_copy(y_hbm.at[src_v.at[j1]], rows1, sem1)
                pltpu.make_async_copy(y_hbm.at[src_v.at[j0]], rows0,
                                      sem0).wait()
                pltpu.sync_copy(rows0, acc.at[dst_v.at[j0]], add=True)

                @pl.when(j0 + 2 < IB)
                def _():
                    pltpu.async_copy(y_hbm.at[src_v.at[j0 + 2]], rows0, sem0)

                pltpu.make_async_copy(y_hbm.at[src_v.at[j1]], rows1,
                                      sem1).wait()
                pltpu.sync_copy(rows1, acc.at[dst_v.at[j1]], add=True)

        plsc.subcore_barrier()
        pltpu.sync_copy(acc.at[pl.ds(row0, RPT)],
                        out_hbm.at[c, pl.ds(row0, RPT)])

    kern = pl.kernel(
        body,
        out_type=jax.ShapeDtypeStruct((NC, NP, D), jnp.float32),
        mesh=_sc_mesh,
        scratch_types=[
            pltpu.VMEM((IB, CH), jnp.int32),
            pltpu.VMEM((IB, CH), jnp.int32),
            pltpu.VMEM((CH, D), jnp.float32),
            pltpu.VMEM((CH, D), jnp.float32),
            pltpu.VMEM((ZR, D), jnp.float32),
            pltpu.VMEM_SHARED((NP, D), jnp.float32),
            pltpu.SemaphoreType.DMA,
            pltpu.SemaphoreType.DMA,
        ],
    )
    return kern(y, edges)


def _sc_degree(edges):

    def body(e_hbm, deg_hbm, dst_v, ones_v, dzero, dacc):
        c = lax.axis_index("c")
        s = lax.axis_index("s")
        wid = c * NS + s
        row0 = s * RPT

        @pl.loop(0, CH)
        def _(r):
            @pl.loop(0, D, step=16)
            def _(col):
                ones_v[r, pl.ds(col, 16)] = jnp.ones((16,), jnp.float32)

        @pl.loop(0, ZR)
        def _(r):
            @pl.loop(0, D, step=16)
            def _(col):
                dzero[r, pl.ds(col, 16)] = jnp.zeros((16,), jnp.float32)

        @pl.loop(0, RPT, step=ZR)
        def _(r0):
            pltpu.sync_copy(dzero, dacc.at[pl.ds(row0 + r0, ZR)])

        pltpu.sync_copy(e_hbm.at[1, wid], dst_v)
        plsc.subcore_barrier()

        @pl.loop(0, NCHUNK)
        def _(j):
            pltpu.sync_copy(ones_v, dacc.at[dst_v.at[j]], add=True)

        plsc.subcore_barrier()
        pltpu.sync_copy(dacc.at[pl.ds(row0, RPT)],
                        deg_hbm.at[c, pl.ds(row0, RPT)])

    kern = pl.kernel(
        body,
        out_type=jax.ShapeDtypeStruct((NC, NP, D), jnp.float32),
        mesh=_sc_mesh,
        scratch_types=[
            pltpu.VMEM((NCHUNK, CH), jnp.int32),
            pltpu.VMEM((CH, D), jnp.float32),
            pltpu.VMEM((ZR, D), jnp.float32),
            pltpu.VMEM_SHARED((NP, D), jnp.float32),
        ],
    )
    return kern(edges)


_BLK = 1000


def _tc_in_body(x_ref, wl_ref, wc_ref, bc_ref, y_ref, z_ref):
    xb = x_ref[...]
    y_ref[...] = jnp.dot(xb, wl_ref[...], preferred_element_type=jnp.float32)
    z_ref[...] = (jnp.dot(xb, wc_ref[...], preferred_element_type=jnp.float32)
                  + bc_ref[...])


def _tc_mid_body(a0_ref, a1_ref, d0_ref, d1_ref, z1_ref, wl_ref, wc_ref,
                 bc_ref, y2_ref, z2_ref):
    deg = jnp.clip(d0_ref[...][:, :1] + d1_ref[...][:, :1], 1.0, None)
    h = (a0_ref[...] + a1_ref[...]) / deg + z1_ref[...]
    h = jnp.where(h > 0, h, jnp.exp(jnp.minimum(h, 0.0)) - 1.0)
    y2_ref[...] = jnp.dot(h, wl_ref[...], preferred_element_type=jnp.float32)
    z2_ref[...] = (jnp.dot(h, wc_ref[...], preferred_element_type=jnp.float32)
                   + bc_ref[...])


def _tc_out_body(a0_ref, a1_ref, d0_ref, d1_ref, z2_ref, o_ref):
    deg = jnp.clip(d0_ref[...][:, :1] + d1_ref[...][:, :1], 1.0, None)
    full = (a0_ref[...] + a1_ref[...]) / deg + z2_ref[...]
    o_ref[...] = full[:, :N_CLS]


def _row_spec(width):
    return pl.BlockSpec((_BLK, width), lambda i: (i, 0))


def _full_spec(shape):
    return pl.BlockSpec(shape, lambda i: (0,) * len(shape))


def kernel(x, edge_index, Wl1, bl1, Wr1, Wlin1, blin1, Wl2, bl2, Wr2,
           Wlin2, blin2):
    W1c = Wr1 + Wlin1
    b1c = (bl1 + blin1).reshape(1, D)
    pad = ((0, 0), (0, D - N_CLS))
    Wl2p = jnp.pad(Wl2, pad)
    W2c = jnp.pad(Wr2 + Wlin2, pad)
    b2c = jnp.pad((bl2 + blin2).reshape(1, N_CLS), ((0, 0), (0, D - N_CLS)))
    e = edge_index.reshape(2, NW, EPT)
    epad = jnp.broadcast_to(
        jnp.array([[0], [NP - 1]], dtype=jnp.int32).reshape(2, 1, 1),
        (2, NW, EPTP - EPT))
    edges = jnp.concatenate([e, epad], axis=2).reshape(2, NW, NCHUNK, CH)
    degp = _sc_degree(edges)

    grid = (N // _BLK,)
    y1, z1 = pl.pallas_call(
        _tc_in_body,
        grid=grid,
        in_specs=[_row_spec(D), _full_spec((D, D)), _full_spec((D, D)),
                  _full_spec((1, D))],
        out_specs=[_row_spec(D), _row_spec(D)],
        out_shape=[jax.ShapeDtypeStruct((N, D), jnp.float32)] * 2,
    )(x, Wl1, W1c, b1c)

    agg1 = _sc_segsum(y1, edges)

    y2, z2 = pl.pallas_call(
        _tc_mid_body,
        grid=grid,
        in_specs=[_row_spec(D), _row_spec(D), _row_spec(D), _row_spec(D),
                  _row_spec(D), _full_spec((D, D)), _full_spec((D, D)),
                  _full_spec((1, D))],
        out_specs=[_row_spec(D), _row_spec(D)],
        out_shape=[jax.ShapeDtypeStruct((N, D), jnp.float32)] * 2,
    )(agg1[0], agg1[1], degp[0], degp[1], z1, Wl2p, W2c, b2c)

    agg2 = _sc_segsum(y2, edges)

    out = pl.pallas_call(
        _tc_out_body,
        grid=grid,
        in_specs=[_row_spec(D), _row_spec(D), _row_spec(D), _row_spec(D),
                  _row_spec(D)],
        out_specs=_row_spec(N_CLS),
        out_shape=jax.ShapeDtypeStruct((N, N_CLS), jnp.float32),
    )(agg2[0], agg2[1], degp[0], degp[1], z2)

    return out

# --- scband reference (transcript-rebuilt; emitter-appended) ---
"""Pipeline reference for scband-graph-sage-ppi-62663572848802 (READ-ONLY COPY).

The authoritative reference and input builder live on the scoring server;
editing this copy changes nothing except your own understanding.
"""

import jax, jax.numpy as jnp
import numpy as np

N = 10000
E = 320000
D_IN = 128
D_HID = 128
N_CLS = 121


def _sage_conv(x, src, dst, W_l, b_l, W_r, num_nodes):
    # PyG SAGEConv with mean aggregation:
    # out = lin_l(mean_{j in N(i)} x_j) + lin_r(x_i)
    msg = x[src]  # gather source-node features per edge
    agg = jax.ops.segment_sum(msg, dst, num_segments=num_nodes)
    deg = jax.ops.segment_sum(jnp.ones((src.shape[0], 1), dtype=x.dtype), dst, num_segments=num_nodes)
    mean = agg / jnp.clip(deg, 1.0, None)
    return mean @ W_l + b_l + x @ W_r


def setup_inputs(seed: int = 0) -> dict:
    key = jax.random.key(seed)
    ks = jax.random.split(key, 12)
    x = jax.random.normal(ks[0], (N, D_IN), dtype=jnp.float32)
    edge_index = jax.random.randint(ks[1], (2, E), 0, N, dtype=jnp.int32)
    s = 0.05
    # layer_1: SAGEConv(input_dim -> hidden_dim)
    Wl1 = jax.random.normal(ks[2], (D_IN, D_HID), dtype=jnp.float32) * s
    bl1 = jax.random.normal(ks[3], (D_HID,), dtype=jnp.float32) * s
    Wr1 = jax.random.normal(ks[4], (D_IN, D_HID), dtype=jnp.float32) * s
    # linear_1: Linear(input_dim -> hidden_dim)
    Wlin1 = jax.random.normal(ks[5], (D_IN, D_HID), dtype=jnp.float32) * s
    blin1 = jax.random.normal(ks[6], (D_HID,), dtype=jnp.float32) * s
    # layer_2: SAGEConv(hidden_dim -> num_classes)
    Wl2 = jax.random.normal(ks[7], (D_HID, N_CLS), dtype=jnp.float32) * s
    bl2 = jax.random.normal(ks[8], (N_CLS,), dtype=jnp.float32) * s
    Wr2 = jax.random.normal(ks[9], (D_HID, N_CLS), dtype=jnp.float32) * s
    # linear_2: Linear(hidden_dim -> num_classes)
    Wlin2 = jax.random.normal(ks[10], (D_HID, N_CLS), dtype=jnp.float32) * s
    blin2 = jax.random.normal(ks[11], (N_CLS,), dtype=jnp.float32) * s
    return {"x": x, "edge_index": edge_index, "Wl1": Wl1, "bl1": bl1, "Wr1": Wr1,
            "Wlin1": Wlin1, "blin1": blin1, "Wl2": Wl2, "bl2": bl2, "Wr2": Wr2,
            "Wlin2": Wlin2, "blin2": blin2}


def reference(x, edge_index, Wl1, bl1, Wr1, Wlin1, blin1, Wl2, bl2, Wr2, Wlin2, blin2):
    src = edge_index[0]
    dst = edge_index[1]
    h = _sage_conv(x, src, dst, Wl1, bl1, Wr1, N) + (x @ Wlin1 + blin1)
    h = jax.nn.elu(h)
    out = _sage_conv(h, src, dst, Wl2, bl2, Wr2, N) + (h @ Wlin2 + blin2)
    return out

if __name__ == "__main__":
    import jax
    _d = setup_inputs()
    print(jax.jit(kernel)(*tuple(_d.values())))

</pallas_src>

<mosaic_0001>
#map = affine_map<(d0, d1) -> (0, 0)>
#map1 = affine_map<(d0, d1) -> (0, 0, 0, 0)>
#map2 = affine_map<(d0, d1) -> (0, 0, 0)>
module attributes {stable_mosaic.version = 14 : i64} {
  func.func @body(%arg0: i32, %arg1: i32, %arg2: memref<10000x128xf32, #tpu.memory_space<hbm>>, %arg3: memref<2x32x80x128xi32, #tpu.memory_space<hbm>>, %arg4: memref<2x10240x128xf32, #tpu.memory_space<hbm>>, %arg5: memref<40x128xi32, #tpu.memory_space<vmem>>, %arg6: memref<40x128xi32, #tpu.memory_space<vmem>>, %arg7: memref<128x128xf32, #tpu.memory_space<vmem>>, %arg8: memref<128x128xf32, #tpu.memory_space<vmem>>, %arg9: memref<16x128xf32, #tpu.memory_space<vmem>>, %arg10: memref<10240x128xf32, #tpu.memory_space<vmem_shared>>, %arg11: memref<!tpu.dma_semaphore, #tpu.memory_space<semaphore_mem>>, %arg12: memref<!tpu.dma_semaphore, #tpu.memory_space<semaphore_mem>>) attributes {dimension_semantics = [#tpu.dimension_semantics<core_parallel>, #tpu.dimension_semantics<subcore_parallel>], iteration_bounds = array<i64: 2, 16>, scalar_prefetch = 0 : i64, scratch_operands = 8 : i64, tpu.core_type = #tpu.core_type<sc_vector_subcore>, window_params = [{transform_indices = #map}, {transform_indices = #map1}, {transform_indices = #map2}]} {
    %mul3A = arith.constant 16 : i32
    %mul3A_0 = arith.muli %arg0, %mul3A : i32
    %add3A = arith.addi %mul3A_0, %arg1 : i32
    %mul3A_1 = arith.constant 640 : i32
    %mul3A_2 = arith.muli %arg1, %mul3A_1 : i32
    %scan3A = arith.constant 0 : i32
    %scan3A_3 = arith.constant 16 : i32
    %scan3A_4 = arith.addi %scan3A, %scan3A_3 : i32
    %scan3A_5 = arith.constant 1 : i32
    scf.for %scan3A_18 = %scan3A to %scan3A_4 step %scan3A_5  : i32 {
      %mul3A_19 = arith.constant 1 : i32
      %mul3A_20 = arith.muli %scan3A_18, %mul3A_19 : i32
      %add3A_21 = arith.constant 0 : i32
      %add3A_22 = arith.addi %add3A_21, %mul3A_20 : i32
      %scan3A_23 = arith.constant 0 : i32
      %scan3A_24 = arith.constant 8 : i32
      %scan3A_25 = arith.addi %scan3A_23, %scan3A_24 : i32
      %scan3A_26 = arith.constant 1 : i32
      scf.for %scan3A_28 = %scan3A_23 to %scan3A_25 step %scan3A_26  : i32 {
        %mul3A_29 = arith.constant 16 : i32
        %mul3A_30 = arith.muli %scan3A_28, %mul3A_29 : i32
        %add3A_31 = arith.constant 0 : i32
        %add3A_32 = arith.addi %add3A_31, %mul3A_30 : i32
        %broadcast_in_dim3A = arith.constant 0.000000e+00 : f32
        %broadcast_in_dim3A_33 = vector.broadcast %broadcast_in_dim3A : f32 to vector<16xf32>
        %swap3A = arith.index_cast %add3A_22 : i32 to index
        %swap3A_34 = arith.index_cast %add3A_32 : i32 to index
        %swap3A_35 = tpu.vector_load %arg9[%swap3A, %swap3A_34] {strides = array<i32>} : memref<16x128xf32, #tpu.memory_space<vmem>>, vector<1x16xf32>,
        %swap3A_36 = vector.shape_cast %swap3A_35 : vector<1x16xf32> to vector<16xf32>
        %swap3A_37 = vector.shape_cast %broadcast_in_dim3A_33 : vector<16xf32> to vector<1x16xf32>
        tpu.vector_store %arg9[%swap3A, %swap3A_34], %swap3A_37 {strides = array<i32>} : memref<16x128xf32, #tpu.memory_space<vmem>>, vector<1x16xf32>,
      }
      %scan3A_27 = arith.constant 8 : i32
    }
    %scan3A_6 = arith.constant 16 : i32
    %scan3A_7 = arith.constant 0 : i32
    %scan3A_8 = arith.constant 40 : i32
    %scan3A_9 = arith.addi %scan3A_7, %scan3A_8 : i32
    %scan3A_10 = arith.constant 1 : i32
    scf.for %scan3A_18 = %scan3A_7 to %scan3A_9 step %scan3A_10  : i32 {
      %mul3A_19 = arith.constant 16 : i32
      %mul3A_20 = arith.muli %scan3A_18, %mul3A_19 : i32
      %add3A_21 = arith.constant 0 : i32
      %add3A_22 = arith.addi %add3A_21, %mul3A_20 : i32
      %add3A_23 = arith.addi %mul3A_2, %add3A_22 : i32
      "tpu.region"() ({
        %run_scoped3A = tpu.sem_alloc : memref<!tpu.dma_semaphore, #tpu.memory_space<semaphore_mem>>
        %dma_start3A = arith.constant 0 : i32
        %dma_start3A_24 = tpu.memref_slice %arg10[%add3A_23, %dma_start3A] : memref<10240x128xf32, #tpu.memory_space<vmem_shared>> -> memref<16x128xf32, #tpu.memory_space<vmem_shared>>
        %dma_start3A_25 = arith.constant 0 : i32
        %dma_start3A_26 = tpu.memref_slice %arg10[%add3A_23, %dma_start3A_25] : memref<10240x128xf32, #tpu.memory_space<vmem_shared>> -> memref<16x128xf32, #tpu.memory_space<vmem_shared>>
        tpu.enqueue_dma source(%arg9 : memref<16x128xf32, #tpu.memory_space<vmem>>) target(%dma_start3A_26 : memref<16x128xf32, #tpu.memory_space<vmem_shared>>) target_semaphore(%run_scoped3A : memref<!tpu.dma_semaphore, #tpu.memory_space<semaphore_mem>>)
        %dma_wait3A = arith.constant 0 : i32
        %dma_wait3A_27 = tpu.memref_slice %arg10[%add3A_23, %dma_wait3A] : memref<10240x128xf32, #tpu.memory_space<vmem_shared>> -> memref<16x128xf32, #tpu.memory_space<vmem_shared>>
        %dma_wait3A_28 = arith.constant 0 : i32
        %dma_wait3A_29 = tpu.memref_slice %arg10[%add3A_23, %dma_wait3A_28] : memref<10240x128xf32, #tpu.memory_space<vmem_shared>> -> memref<16x128xf32, #tpu.memory_space<vmem_shared>>
        tpu.wait_dma2 semaphore(%run_scoped3A : memref<!tpu.dma_semaphore, #tpu.memory_space<semaphore_mem>>) src(%arg9 : memref<16x128xf32, #tpu.memory_space<vmem>>) dst(%dma_wait3A_29 : memref<16x128xf32, #tpu.memory_space<vmem_shared>>)
        tpu.yield
      }) : () -> ()
    }
    %scan3A_11 = arith.constant 40 : i32
    %barrier3A = arith.constant 0 : index
    tpu.barrier barrier_id(%barrier3A)
    %scan3A_12 = arith.constant 0 : i32
    %scan3A_13 = arith.constant 2 : i32
    %scan3A_14 = arith.addi %scan3A_12, %scan3A_13 : i32
    %scan3A_15 = arith.constant 1 : i32
    scf.for %scan3A_18 = %scan3A_12 to %scan3A_14 step %scan3A_15  : i32 {
      %mul3A_19 = arith.constant 1 : i32
      %mul3A_20 = arith.muli %scan3A_18, %mul3A_19 : i32
      %add3A_21 = arith.constant 0 : i32
      %add3A_22 = arith.addi %add3A_21, %mul3A_20 : i32
      %mul3A_23 = arith.constant 40 : i32
      %mul3A_24 = arith.muli %add3A_22, %mul3A_23 : i32
      %run_scoped3A = arith.constant 0 : i32
      "tpu.region"() ({
        %run_scoped3A_39 = tpu.sem_alloc : memref<!tpu.dma_semaphore, #tpu.memory_space<semaphore_mem>>
        %dma_start3A_40 = arith.constant 0 : i32
        %dma_start3A_41 = tpu.memref_slice %arg3[%run_scoped3A, %add3A, %mul3A_24, %dma_start3A_40] : memref<2x32x80x128xi32, #tpu.memory_space<hbm>> -> memref<1x1x40x128xi32, #tpu.memory_space<hbm>>
        %dma_start3A_42 = tpu.memref_squeeze %dma_start3A_41 : memref<1x1x40x128xi32, #tpu.memory_space<hbm>> -> memref<40x128xi32, #tpu.memory_space<hbm>>
        %dma_start3A_43 = arith.constant 0 : i32
        %dma_start3A_44 = tpu.memref_slice %arg3[%run_scoped3A, %add3A, %mul3A_24, %dma_start3A_43] : memref<2x32x80x128xi32, #tpu.memory_space<hbm>> -> memref<1x1x40x128xi32, #tpu.memory_space<hbm>>
        %dma_start3A_45 = tpu.memref_squeeze %dma_start3A_44 : memref<1x1x40x128xi32, #tpu.memory_space<hbm>> -> memref<40x128xi32, #tpu.memory_space<hbm>>
        tpu.enqueue_dma source(%dma_start3A_45 : memref<40x128xi32, #tpu.memory_space<hbm>>) target(%arg5 : memref<40x128xi32, #tpu.memory_space<vmem>>) target_semaphore(%run_scoped3A_39 : memref<!tpu.dma_semaphore, #tpu.memory_space<semaphore_mem>>)
        %dma_wait3A = arith.constant 0 : i32
        %dma_wait3A_46 = tpu.memref_slice %arg3[%run_scoped3A, %add3A, %mul3A_24, %dma_wait3A] : memref<2x32x80x128xi32, #tpu.memory_space<hbm>> -> memref<1x1x40x128xi32, #tpu.memory_space<hbm>>
        %dma_wait3A_47 = tpu.memref_squeeze %dma_wait3A_46 : memref<1x1x40x128xi32, #tpu.memory_space<hbm>> -> memref<40x128xi32, #tpu.memory_space<hbm>>
        %dma_wait3A_48 = arith.constant 0 : i32
        %dma_wait3A_49 = tpu.memref_slice %arg3[%run_scoped3A, %add3A, %mul3A_24, %dma_wait3A_48] : memref<2x32x80x128xi32, #tpu.memory_space<hbm>> -> memref<1x1x40x128xi32, #tpu.memory_space<hbm>>
        %dma_wait3A_50 = tpu.memref_squeeze %dma_wait3A_49 : memref<1x1x40x128xi32, #tpu.memory_space<hbm>> -> memref<40x128xi32, #tpu.memory_space<hbm>>
        tpu.wait_dma2 semaphore(%run_scoped3A_39 : memref<!tpu.dma_semaphore, #tpu.memory_space<semaphore_mem>>) src(%dma_wait3A_50 : memref<40x128xi32, #tpu.memory_space<hbm>>) dst(%arg5 : memref<40x128xi32, #tpu.memory_space<vmem>>)
        tpu.yield
      }) : () -> ()
      %mul3A_25 = arith.constant 40 : i32
      %mul3A_26 = arith.muli %add3A_22, %mul3A_25 : i32
      %run_scoped3A_27 = arith.constant 1 : i32
      "tpu.region"() ({
        %run_scoped3A_39 = tpu.sem_alloc : memref<!tpu.dma_semaphore, #tpu.memory_space<semaphore_mem>>
        %dma_start3A_40 = arith.constant 0 : i32
        %dma_start3A_41 = tpu.memref_slice %arg3[%run_scoped3A_27, %add3A, %mul3A_26, %dma_start3A_40] : memref<2x32x80x128xi32, #tpu.memory_space<hbm>> -> memref<1x1x40x128xi32, #tpu.memory_space<hbm>>
        %dma_start3A_42 = tpu.memref_squeeze %dma_start3A_41 : memref<1x1x40x128xi32, #tpu.memory_space<hbm>> -> memref<40x128xi32, #tpu.memory_space<hbm>>
        %dma_start3A_43 = arith.constant 0 : i32
        %dma_start3A_44 = tpu.memref_slice %arg3[%run_scoped3A_27, %add3A, %mul3A_26, %dma_start3A_43] : memref<2x32x80x128xi32, #tpu.memory_space<hbm>> -> memref<1x1x40x128xi32, #tpu.memory_space<hbm>>
        %dma_start3A_45 = tpu.memref_squeeze %dma_start3A_44 : memref<1x1x40x128xi32, #tpu.memory_space<hbm>> -> memref<40x128xi32, #tpu.memory_space<hbm>>
        tpu.enqueue_dma source(%dma_start3A_45 : memref<40x128xi32, #tpu.memory_space<hbm>>) target(%arg6 : memref<40x128xi32, #tpu.memory_space<vmem>>) target_semaphore(%run_scoped3A_39 : memref<!tpu.dma_semaphore, #tpu.memory_space<semaphore_mem>>)
        %dma_wait3A = arith.constant 0 : i32
        %dma_wait3A_46 = tpu.memref_slice %arg3[%run_scoped3A_27, %add3A, %mul3A_26, %dma_wait3A] : memref<2x32x80x128xi32, #tpu.memory_space<hbm>> -> memref<1x1x40x128xi32, #tpu.memory_space<hbm>>
        %dma_wait3A_47 = tpu.memref_squeeze %dma_wait3A_46 : memref<1x1x40x128xi32, #tpu.memory_space<hbm>> -> memref<40x128xi32, #tpu.memory_space<hbm>>
        %dma_wait3A_48 = arith.constant 0 : i32
        %dma_wait3A_49 = tpu.memref_slice %arg3[%run_scoped3A_27, %add3A, %mul3A_26, %dma_wait3A_48] : memref<2x32x80x128xi32, #tpu.memory_space<hbm>> -> memref<1x1x40x128xi32, #tpu.memory_space<hbm>>
        %dma_wait3A_50 = tpu.memref_squeeze %dma_wait3A_49 : memref<1x1x40x128xi32, #tpu.memory_space<hbm>> -> memref<40x128xi32, #tpu.memory_space<hbm>>
        tpu.wait_dma2 semaphore(%run_scoped3A_39 : memref<!tpu.dma_semaphore, #tpu.memory_space<semaphore_mem>>) src(%dma_wait3A_50 : memref<40x128xi32, #tpu.memory_space<hbm>>) dst(%arg6 : memref<40x128xi32, #tpu.memory_space<vmem>>)
        tpu.yield
      }) : () -> ()
      %dma_start3A = arith.constant 0 : i32
      %dma_start3A_28 = arith.constant 0 : i32
      %dma_start3A_29 = tpu.memref_slice %arg5[%dma_start3A, %dma_start3A_28] : memref<40x128xi32, #tpu.memory_space<vmem>> -> memref<1x128xi32, #tpu.memory_space<vmem>>
      %dma_start3A_30 = tpu.memref_squeeze %dma_start3A_29 : memref<1x128xi32, #tpu.memory_space<vmem>> -> memref<128xi32, #tpu.memory_space<vmem>>
      %dma_start3A_31 = arith.constant 0 : i32
      %dma_start3A_32 = arith.constant 0 : i32
      %dma_start3A_33 = tpu.memref_slice %arg2[%dma_start3A_31, %dma_start3A_32] : memref<10000x128xf32, #tpu.memory_space<hbm>> -> memref<10000x128xf32, #tpu.memory_space<hbm>>
      tpu.enqueue_indirect_dma source(%dma_start3A_33 : memref<10000x128xf32, #tpu.memory_space<hbm>>) target(%arg7 : memref<128x128xf32, #tpu.memory_space<vmem>>) offsets(%dma_start3A_30 : memref<128xi32, #tpu.memory_space<vmem>>) semaphore(%arg11 : memref<!tpu.dma_semaphore, #tpu.memory_space<semaphore_mem>>)
      %scan3A_34 = arith.constant 0 : i32
      %scan3A_35 = arith.constant 20 : i32
      %scan3A_36 = arith.addi %scan3A_34, %scan3A_35 : i32
      %scan3A_37 = arith.constant 1 : i32
      scf.for %scan3A_39 = %scan3A_34 to %scan3A_36 step %scan3A_37  : i32 {
        %mul3A_40 = arith.constant 1 : i32
        %mul3A_41 = arith.muli %scan3A_39, %mul3A_40 : i32
        %add3A_42 = arith.constant 0 : i32
        %add3A_43 = arith.addi %add3A_42, %mul3A_41 : i32
        %mul3A_44 = arith.constant 2 : i32
        %mul3A_45 = arith.muli %mul3A_44, %add3A_43 : i32
        %add3A_46 = arith.constant 1 : i32
        %add3A_47 = arith.addi %mul3A_45, %add3A_46 : i32
        %dma_start3A_48 = arith.constant 0 : i32
        %dma_start3A_49 = tpu.memref_slice %arg5[%add3A_47, %dma_start3A_48] : memref<40x128xi32, #tpu.memory_space<vmem>> -> memref<1x128xi32, #tpu.memory_space<vmem>>
        %dma_start3A_50 = tpu.memref_squeeze %dma_start3A_49 : memref<1x128xi32, #tpu.memory_space<vmem>> -> memref<128xi32, #tpu.memory_space<vmem>>
        %dma_start3A_51 = arith.constant 0 : i32
        %dma_start3A_52 = arith.constant 0 : i32
        %dma_start3A_53 = tpu.memref_slice %arg2[%dma_start3A_51, %dma_start3A_52] : memref<10000x128xf32, #tpu.memory_space<hbm>> -> memref<10000x128xf32, #tpu.memory_space<hbm>>
        tpu.enqueue_indirect_dma source(%dma_start3A_53 : memref<10000x128xf32, #tpu.memory_space<hbm>>) target(%arg8 : memref<128x128xf32, #tpu.memory_space<vmem>>) offsets(%dma_start3A_50 : memref<128xi32, #tpu.memory_space<vmem>>) semaphore(%arg12 : memref<!tpu.dma_semaphore, #tpu.memory_space<semaphore_mem>>)
        %dma_wait3A = arith.constant 0 : i32
        %dma_wait3A_54 = tpu.memref_slice %arg5[%mul3A_45, %dma_wait3A] : memref<40x128xi32, #tpu.memory_space<vmem>> -> memref<1x128xi32, #tpu.memory_space<vmem>>
        %dma_wait3A_55 = tpu.memref_squeeze %dma_wait3A_54 : memref<1x128xi32, #tpu.memory_space<vmem>> -> memref<128xi32, #tpu.memory_space<vmem>>
        %dma_wait3A_56 = arith.constant 0 : i32
        %dma_wait3A_57 = arith.constant 0 : i32
        %dma_wait3A_58 = tpu.memref_slice %arg2[%dma_wait3A_56, %dma_wait3A_57] : memref<10000x128xf32, #tpu.memory_space<hbm>> -> memref<10000x128xf32, #tpu.memory_space<hbm>>
        tpu.wait_indirect_dma semaphore(%arg11 : memref<!tpu.dma_semaphore, #tpu.memory_space<semaphore_mem>>) src(%dma_wait3A_58 : memref<10000x128xf32, #tpu.memory_space<hbm>>) dst(%arg7 : memref<128x128xf32, #tpu.memory_space<vmem>>)
        "tpu.region"() ({
          %run_scoped3A_69 = tpu.sem_alloc : memref<!tpu.dma_semaphore, #tpu.memory_space<semaphore_mem>>
          %dma_start3A_70 = arith.constant 0 : i32
          %dma_start3A_71 = tpu.memref_slice %arg6[%mul3A_45, %dma_start3A_70] : memref<40x128xi32, #tpu.memory_space<vmem>> -> memref<1x128xi32, #tpu.memory_space<vmem>>
          %dma_start3A_72 = tpu.memref_squeeze %dma_start3A_71 : memref<1x128xi32, #tpu.memory_space<vmem>> -> memref<128xi32, #tpu.memory_space<vmem>>
          %dma_start3A_73 = arith.constant 0 : i32
          %dma_start3A_74 = arith.constant 0 : i32
          %dma_start3A_75 = tpu.memref_slice %arg10[%dma_start3A_73, %dma_start3A_74] : memref<10240x128xf32, #tpu.memory_space<vmem_shared>> -> memref<10240x128xf32, #tpu.memory_space<vmem_shared>>
          tpu.enqueue_indirect_dma source(%arg7 : memref<128x128xf32, #tpu.memory_space<vmem>>) target(%dma_start3A_75 : memref<10240x128xf32, #tpu.memory_space<vmem_shared>>) offsets(%dma_start3A_72 : memref<128xi32, #tpu.memory_space<vmem>>) semaphore(%run_scoped3A_69 : memref<!tpu.dma_semaphore, #tpu.memory_space<semaphore_mem>>) {add = true}
          %dma_wait3A_76 = arith.constant 0 : i32
          %dma_wait3A_77 = tpu.memref_slice %arg6[%mul3A_45, %dma_wait3A_76] : memref<40x128xi32, #tpu.memory_space<vmem>> -> memref<1x128xi32, #tpu.memory_space<vmem>>
          %dma_wait3A_78 = tpu.memref_squeeze %dma_wait3A_77 : memref<1x128xi32, #tpu.memory_space<vmem>> -> memref<128xi32, #tpu.memory_space<vmem>>
          %dma_wait3A_79 = arith.constant 0 : i32
          %dma_wait3A_80 = arith.constant 0 : i32
          %dma_wait3A_81 = tpu.memref_slice %arg10[%dma_wait3A_79, %dma_wait3A_80] : memref<10240x128xf32, #tpu.memory_space<vmem_shared>> -> memref<10240x128xf32, #tpu.memory_space<vmem_shared>>
          tpu.wait_indirect_dma semaphore(%run_scoped3A_69 : memref<!tpu.dma_semaphore, #tpu.memory_space<semaphore_mem>>) src(%arg7 : memref<128x128xf32, #tpu.memory_space<vmem>>) dst(%dma_wait3A_81 : memref<10240x128xf32, #tpu.memory_space<vmem_shared>>)
          tpu.yield
        }) : () -> ()
        %add3A_59 = arith.constant 2 : i32
        %add3A_60 = arith.addi %mul3A_45, %add3A_59 : i32
        %lt3A = arith.constant 40 : i32
        %lt3A_61 = arith.cmpi slt, %add3A_60, %lt3A : i32
        %convert_element_type3A = arith.extui %lt3A_61 : i1 to i32
        %cond3A = arith.constant 0 : i32
        %cond3A_62 = arith.cmpi ne, %convert_element_type3A, %cond3A : i32
        scf.if %cond3A_62 {
          %add3A_69 = arith.constant 2 : i32
          %add3A_70 = arith.addi %mul3A_45, %add3A_69 : i32
          %dma_start3A_71 = arith.constant 0 : i32
          %dma_start3A_72 = tpu.memref_slice %arg5[%add3A_70, %dma_start3A_71] : memref<40x128xi32, #tpu.memory_space<vmem>> -> memref<1x128xi32, #tpu.memory_space<vmem>>
          %dma_start3A_73 = tpu.memref_squeeze %dma_start3A_72 : memref<1x128xi32, #tpu.memory_space<vmem>> -> memref<128xi32, #tpu.memory_space<vmem>>
          %dma_start3A_74 = arith.constant 0 : i32
          %dma_start3A_75 = arith.constant 0 : i32
          %dma_start3A_76 = tpu.memref_slice %arg2[%dma_start3A_74, %dma_start3A_75] : memref<10000x128xf32, #tpu.memory_space<hbm>> -> memref<10000x128xf32, #tpu.memory_space<hbm>>
          tpu.enqueue_indirect_dma source(%dma_start3A_76 : memref<10000x128xf32, #tpu.memory_space<hbm>>) target(%arg7 : memref<128x128xf32, #tpu.memory_space<vmem>>) offsets(%dma_start3A_73 : memref<128xi32, #tpu.memory_space<vmem>>) semaphore(%arg11 : memref<!tpu.dma_semaphore, #tpu.memory_space<semaphore_mem>>)
        } else {
        }
        %dma_wait3A_63 = arith.constant 0 : i32
        %dma_wait3A_64 = tpu.memref_slice %arg5[%add3A_47, %dma_wait3A_63] : memref<40x128xi32, #tpu.memory_space<vmem>> -> memref<1x128xi32, #tpu.memory_space<vmem>>
        %dma_wait3A_65 = tpu.memref_squeeze %dma_wait3A_64 : memref<1x128xi32, #tpu.memory_space<vmem>> -> memref<128xi32, #tpu.memory_space<vmem>>
        %dma_wait3A_66 = arith.constant 0 : i32
        %dma_wait3A_67 = arith.constant 0 : i32
        %dma_wait3A_68 = tpu.memref_slice %arg2[%dma_wait3A_66, %dma_wait3A_67] : memref<10000x128xf32, #tpu.memory_space<hbm>> -> memref<10000x128xf32, #tpu.memory_space<hbm>>
        tpu.wait_indirect_dma semaphore(%arg12 : memref<!tpu.dma_semaphore, #tpu.memory_space<semaphore_mem>>) src(%dma_wait3A_68 : memref<10000x128xf32, #tpu.memory_space<hbm>>) dst(%arg8 : memref<128x128xf32, #tpu.memory_space<vmem>>)
        "tpu.region"() ({
          %run_scoped3A_69 = tpu.sem_alloc : memref<!tpu.dma_semaphore, #tpu.memory_space<semaphore_mem>>
          %dma_start3A_70 = arith.constant 0 : i32
          %dma_start3A_71 = tpu.memref_slice %arg6[%add3A_47, %dma_start3A_70] : memref<40x128xi32, #tpu.memory_space<vmem>> -> memref<1x128xi32, #tpu.memory_space<vmem>>
          %dma_start3A_72 = tpu.memref_squeeze %dma_start3A_71 : memref<1x128xi32, #tpu.memory_space<vmem>> -> memref<128xi32, #tpu.memory_space<vmem>>
          %dma_start3A_73 = arith.constant 0 : i32
          %dma_start3A_74 = arith.constant 0 : i32
          %dma_start3A_75 = tpu.memref_slice %arg10[%dma_start3A_73, %dma_start3A_74] : memref<10240x128xf32, #tpu.memory_space<vmem_shared>> -> memref<10240x128xf32, #tpu.memory_space<vmem_shared>>
          tpu.enqueue_indirect_dma source(%arg8 : memref<128x128xf32, #tpu.memory_space<vmem>>) target(%dma_start3A_75 : memref<10240x128xf32, #tpu.memory_space<vmem_shared>>) offsets(%dma_start3A_72 : memref<128xi32, #tpu.memory_space<vmem>>) semaphore(%run_scoped3A_69 : memref<!tpu.dma_semaphore, #tpu.memory_space<semaphore_mem>>) {add = true}
          %dma_wait3A_76 = arith.constant 0 : i32
          %dma_wait3A_77 = tpu.memref_slice %arg6[%add3A_47, %dma_wait3A_76] : memref<40x128xi32, #tpu.memory_space<vmem>> -> memref<1x128xi32, #tpu.memory_space<vmem>>
          %dma_wait3A_78 = tpu.memref_squeeze %dma_wait3A_77 : memref<1x128xi32, #tpu.memory_space<vmem>> -> memref<128xi32, #tpu.memory_space<vmem>>
          %dma_wait3A_79 = arith.constant 0 : i32
          %dma_wait3A_80 = arith.constant 0 : i32
          %dma_wait3A_81 = tpu.memref_slice %arg10[%dma_wait3A_79, %dma_wait3A_80] : memref<10240x128xf32, #tpu.memory_space<vmem_shared>> -> memref<10240x128xf32, #tpu.memory_space<vmem_shared>>
          tpu.wait_indirect_dma semaphore(%run_scoped3A_69 : memref<!tpu.dma_semaphore, #tpu.memory_space<semaphore_mem>>) src(%arg8 : memref<128x128xf32, #tpu.memory_space<vmem>>) dst(%dma_wait3A_81 : memref<10240x128xf32, #tpu.memory_space<vmem_shared>>)
          tpu.yield
        }) : () -> ()
      }
      %scan3A_38 = arith.constant 20 : i32
    }
    %scan3A_16 = arith.constant 2 : i32
    %barrier3A_17 = arith.constant 0 : index
    tpu.barrier barrier_id(%barrier3A_17)
    "tpu.region"() ({
      %run_scoped3A = tpu.sem_alloc : memref<!tpu.dma_semaphore, #tpu.memory_space<semaphore_mem>>
      %dma_start3A = arith.constant 0 : i32
      %dma_start3A_18 = tpu.memref_slice %arg4[%arg0, %mul3A_2, %dma_start3A] : memref<2x10240x128xf32, #tpu.memory_space<hbm>> -> memref<1x640x128xf32, #tpu.memory_space<hbm>>
      %dma_start3A_19 = tpu.memref_squeeze %dma_start3A_18 : memref<1x640x128xf32, #tpu.memory_space<hbm>> -> memref<640x128xf32, #tpu.memory_space<hbm>>
      %dma_start3A_20 = arith.constant 0 : i32
      %dma_start3A_21 = tpu.memref_slice %arg10[%mul3A_2, %dma_start3A_20] : memref<10240x128xf32, #tpu.memory_space<vmem_shared>> -> memref<640x128xf32, #tpu.memory_space<vmem_shared>>
      tpu.enqueue_dma source(%dma_start3A_21 : memref<640x128xf32, #tpu.memory_space<vmem_shared>>) target(%dma_start3A_19 : memref<640x128xf32, #tpu.memory_space<hbm>>) target_semaphore(%run_scoped3A : memref<!tpu.dma_semaphore, #tpu.memory_space<semaphore_mem>>)
      %dma_wait3A = arith.constant 0 : i32
      %dma_wait3A_22 = tpu.memref_slice %arg4[%arg0, %mul3A_2, %dma_wait3A] : memref<2x10240x128xf32, #tpu.memory_space<hbm>> -> memref<1x640x128xf32, #tpu.memory_space<hbm>>
      %dma_wait3A_23 = tpu.memref_squeeze %dma_wait3A_22 : memref<1x640x128xf32, #tpu.memory_space<hbm>> -> memref<640x128xf32, #tpu.memory_space<hbm>>
      %dma_wait3A_24 = arith.constant 0 : i32
      %dma_wait3A_25 = tpu.memref_slice %arg10[%mul3A_2, %dma_wait3A_24] : memref<10240x128xf32, #tpu.memory_space<vmem_shared>> -> memref<640x128xf32, #tpu.memory_space<vmem_shared>>
      tpu.wait_dma2 semaphore(%run_scoped3A : memref<!tpu.dma_semaphore, #tpu.memory_space<semaphore_mem>>) src(%dma_wait3A_25 : memref<640x128xf32, #tpu.memory_space<vmem_shared>>) dst(%dma_wait3A_23 : memref<640x128xf32, #tpu.memory_space<hbm>>)
      tpu.yield
    }) : () -> ()
    return
  }
}

#map = affine_map<(d0, d1) -> (0, 0)>
#map1 = affine_map<(d0, d1) -> (0, 0, 0, 0)>
#map2 = affine_map<(d0, d1) -> (0, 0, 0)>
module attributes {stable_mosaic.version = 14 : i64} {
  func.func @body(%arg0: i32, %arg1: i32, %arg2: memref<10000x128xf32, #tpu.memory_space<hbm>>, %arg3: memref<2x32x80x128xi32, #tpu.memory_space<hbm>>, %arg4: memref<2x10240x128xf32, #tpu.memory_space<hbm>>, %arg5: memref<40x128xi32, #tpu.memory_space<vmem>>, %arg6: memref<40x128xi32, #tpu.memory_space<vmem>>, %arg7: memref<128x128xf32, #tpu.memory_space<vmem>>, %arg8: memref<128x128xf32, #tpu.memory_space<vmem>>, %arg9: memref<16x128xf32, #tpu.memory_space<vmem>>, %arg10: memref<10240x128xf32, #tpu.memory_space<vmem_shared>>, %arg11: memref<!tpu.dma_semaphore, #tpu.memory_space<semaphore_mem>>, %arg12: memref<!tpu.dma_semaphore, #tpu.memory_space<semaphore_mem>>) attributes {dimension_semantics = [#tpu.dimension_semantics<core_parallel>, #tpu.dimension_semantics<subcore_parallel>], iteration_bounds = array<i64: 2, 16>, scalar_prefetch = 0 : i64, scratch_operands = 8 : i64, tpu.core_type = #tpu.core_type<sc_vector_subcore>, window_params = [{transform_indices = #map}, {transform_indices = #map1}, {transform_indices = #map2}]} {
    %mul3A = arith.constant 16 : i32
    %mul3A_0 = arith.muli %arg0, %mul3A : i32
    %add3A = arith.addi %mul3A_0, %arg1 : i32
    %mul3A_1 = arith.constant 640 : i32
    %mul3A_2 = arith.muli %arg1, %mul3A_1 : i32
    %scan3A = arith.constant 0 : i32
    %scan3A_3 = arith.constant 16 : i32
    %scan3A_4 = arith.addi %scan3A, %scan3A_3 : i32
    %scan3A_5 = arith.constant 1 : i32
    scf.for %scan3A_18 = %scan3A to %scan3A_4 step %scan3A_5  : i32 {
      %mul3A_19 = arith.constant 1 : i32
      %mul3A_20 = arith.muli %scan3A_18, %mul3A_19 : i32
      %add3A_21 = arith.constant 0 : i32
      %add3A_22 = arith.addi %add3A_21, %mul3A_20 : i32
      %scan3A_23 = arith.constant 0 : i32
      %scan3A_24 = arith.constant 8 : i32
      %scan3A_25 = arith.addi %scan3A_23, %scan3A_24 : i32
      %scan3A_26 = arith.constant 1 : i32
      scf.for %scan3A_28 = %scan3A_23 to %scan3A_25 step %scan3A_26  : i32 {
        %mul3A_29 = arith.constant 16 : i32
        %mul3A_30 = arith.muli %scan3A_28, %mul3A_29 : i32
        %add3A_31 = arith.constant 0 : i32
        %add3A_32 = arith.addi %add3A_31, %mul3A_30 : i32
        %broadcast_in_dim3A = arith.constant 0.000000e+00 : f32
        %broadcast_in_dim3A_33 = vector.broadcast %broadcast_in_dim3A : f32 to vector<16xf32>
        %swap3A = arith.index_cast %add3A_22 : i32 to index
        %swap3A_34 = arith.index_cast %add3A_32 : i32 to index
        %swap3A_35 = tpu.vector_load %arg9[%swap3A, %swap3A_34] {strides = array<i32>} : memref<16x128xf32, #tpu.memory_space<vmem>>, vector<1x16xf32>,
        %swap3A_36 = vector.shape_cast %swap3A_35 : vector<1x16xf32> to vector<16xf32>
        %swap3A_37 = vector.shape_cast %broadcast_in_dim3A_33 : vector<16xf32> to vector<1x16xf32>
        tpu.vector_store %arg9[%swap3A, %swap3A_34], %swap3A_37 {strides = array<i32>} : memref<16x128xf32, #tpu.memory_space<vmem>>, vector<1x16xf32>,
      }
      %scan3A_27 = arith.constant 8 : i32
    }
    %scan3A_6 = arith.constant 16 : i32
    %scan3A_7 = arith.constant 0 : i32
    %scan3A_8 = arith.constant 40 : i32
    %scan3A_9 = arith.addi %scan3A_7, %scan3A_8 : i32
    %scan3A_10 = arith.constant 1 : i32
    scf.for %scan3A_18 = %scan3A_7 to %scan3A_9 step %scan3A_10  : i32 {
      %mul3A_19 = arith.constant 16 : i32
      %mul3A_20 = arith.muli %scan3A_18, %mul3A_19 : i32
      %add3A_21 = arith.constant 0 : i32
      %add3A_22 = arith.addi %add3A_21, %mul3A_20 : i32
      %add3A_23 = arith.addi %mul3A_2, %add3A_22 : i32
      "tpu.region"() ({
        %run_scoped3A = tpu.sem_alloc : memref<!tpu.dma_semaphore, #tpu.memory_space<semaphore_mem>>
        %dma_start3A = arith.constant 0 : i32
        %dma_start3A_24 = tpu.memref_slice %arg10[%add3A_23, %dma_start3A] : memref<10240x128xf32, #tpu.memory_space<vmem_shared>> -> memref<16x128xf32, #tpu.memory_space<vmem_shared>>
        %dma_start3A_25 = arith.constant 0 : i32
        %dma_start3A_26 = tpu.memref_slice %arg10[%add3A_23, %dma_start3A_25] : memref<10240x128xf32, #tpu.memory_space<vmem_shared>> -> memref<16x128xf32, #tpu.memory_space<vmem_shared>>
        tpu.enqueue_dma source(%arg9 : memref<16x128xf32, #tpu.memory_space<vmem>>) target(%dma_start3A_26 : memref<16x128xf32, #tpu.memory_space<vmem_shared>>) target_semaphore(%run_scoped3A : memref<!tpu.dma_semaphore, #tpu.memory_space<semaphore_mem>>)
        %dma_wait3A = arith.constant 0 : i32
        %dma_wait3A_27 = tpu.memref_slice %arg10[%add3A_23, %dma_wait3A] : memref<10240x128xf32, #tpu.memory_space<vmem_shared>> -> memref<16x128xf32, #tpu.memory_space<vmem_shared>>
        %dma_wait3A_28 = arith.constant 0 : i32
        %dma_wait3A_29 = tpu.memref_slice %arg10[%add3A_23, %dma_wait3A_28] : memref<10240x128xf32, #tpu.memory_space<vmem_shared>> -> memref<16x128xf32, #tpu.memory_space<vmem_shared>>
        tpu.wait_dma2 semaphore(%run_scoped3A : memref<!tpu.dma_semaphore, #tpu.memory_space<semaphore_mem>>) src(%arg9 : memref<16x128xf32, #tpu.memory_space<vmem>>) dst(%dma_wait3A_29 : memref<16x128xf32, #tpu.memory_space<vmem_shared>>)
        tpu.yield
      }) : () -> ()
    }
    %scan3A_11 = arith.constant 40 : i32
    %barrier3A = arith.constant 0 : index
    tpu.barrier barrier_id(%barrier3A)
    %scan3A_12 = arith.constant 0 : i32
    %scan3A_13 = arith.constant 2 : i32
    %scan3A_14 = arith.addi %scan3A_12, %scan3A_13 : i32
    %scan3A_15 = arith.constant 1 : i32
    scf.for %scan3A_18 = %scan3A_12 to %scan3A_14 step %scan3A_15  : i32 {
      %mul3A_19 = arith.constant 1 : i32
      %mul3A_20 = arith.muli %scan3A_18, %mul3A_19 : i32
      %add3A_21 = arith.constant 0 : i32
      %add3A_22 = arith.addi %add3A_21, %mul3A_20 : i32
      %mul3A_23 = arith.constant 40 : i32
      %mul3A_24 = arith.muli %add3A_22, %mul3A_23 : i32
      %run_scoped3A = arith.constant 0 : i32
      "tpu.region"() ({
        %run_scoped3A_39 = tpu.sem_alloc : memref<!tpu.dma_semaphore, #tpu.memory_space<semaphore_mem>>
        %dma_start3A_40 = arith.constant 0 : i32
        %dma_start3A_41 = tpu.memref_slice %arg3[%run_scoped3A, %add3A, %mul3A_24, %dma_start3A_40] : memref<2x32x80x128xi32, #tpu.memory_space<hbm>> -> memref<1x1x40x128xi32, #tpu.memory_space<hbm>>
        %dma_start3A_42 = tpu.memref_squeeze %dma_start3A_41 : memref<1x1x40x128xi32, #tpu.memory_space<hbm>> -> memref<40x128xi32, #tpu.memory_space<hbm>>
        %dma_start3A_43 = arith.constant 0 : i32
        %dma_start3A_44 = tpu.memref_slice %arg3[%run_scoped3A, %add3A, %mul3A_24, %dma_start3A_43] : memref<2x32x80x128xi32, #tpu.memory_space<hbm>> -> memref<1x1x40x128xi32, #tpu.memory_space<hbm>>
        %dma_start3A_45 = tpu.memref_squeeze %dma_start3A_44 : memref<1x1x40x128xi32, #tpu.memory_space<hbm>> -> memref<40x128xi32, #tpu.memory_space<hbm>>
        tpu.enqueue_dma source(%dma_start3A_45 : memref<40x128xi32, #tpu.memory_space<hbm>>) target(%arg5 : memref<40x128xi32, #tpu.memory_space<vmem>>) target_semaphore(%run_scoped3A_39 : memref<!tpu.dma_semaphore, #tpu.memory_space<semaphore_mem>>)
        %dma_wait3A = arith.constant 0 : i32
        %dma_wait3A_46 = tpu.memref_slice %arg3[%run_scoped3A, %add3A, %mul3A_24, %dma_wait3A] : memref<2x32x80x128xi32, #tpu.memory_space<hbm>> -> memref<1x1x40x128xi32, #tpu.memory_space<hbm>>
        %dma_wait3A_47 = tpu.memref_squeeze %dma_wait3A_46 : memref<1x1x40x128xi32, #tpu.memory_space<hbm>> -> memref<40x128xi32, #tpu.memory_space<hbm>>
        %dma_wait3A_48 = arith.constant 0 : i32
        %dma_wait3A_49 = tpu.memref_slice %arg3[%run_scoped3A, %add3A, %mul3A_24, %dma_wait3A_48] : memref<2x32x80x128xi32, #tpu.memory_space<hbm>> -> memref<1x1x40x128xi32, #tpu.memory_space<hbm>>
        %dma_wait3A_50 = tpu.memref_squeeze %dma_wait3A_49 : memref<1x1x40x128xi32, #tpu.memory_space<hbm>> -> memref<40x128xi32, #tpu.memory_space<hbm>>
        tpu.wait_dma2 semaphore(%run_scoped3A_39 : memref<!tpu.dma_semaphore, #tpu.memory_space<semaphore_mem>>) src(%dma_wait3A_50 : memref<40x128xi32, #tpu.memory_space<hbm>>) dst(%arg5 : memref<40x128xi32, #tpu.memory_space<vmem>>)
        tpu.yield
      }) : () -> ()
      %mul3A_25 = arith.constant 40 : i32
      %mul3A_26 = arith.muli %add3A_22, %mul3A_25 : i32
      %run_scoped3A_27 = arith.constant 1 : i32
      "tpu.region"() ({
        %run_scoped3A_39 = tpu.sem_alloc : memref<!tpu.dma_semaphore, #tpu.memory_space<semaphore_mem>>
        %dma_start3A_40 = arith.constant 0 : i32
        %dma_start3A_41 = tpu.memref_slice %arg3[%run_scoped3A_27, %add3A, %mul3A_26, %dma_start3A_40] : memref<2x32x80x128xi32, #tpu.memory_space<hbm>> -> memref<1x1x40x128xi32, #tpu.memory_space<hbm>>
        %dma_start3A_42 = tpu.memref_squeeze %dma_start3A_41 : memref<1x1x40x128xi32, #tpu.memory_space<hbm>> -> memref<40x128xi32, #tpu.memory_space<hbm>>
        %dma_start3A_43 = arith.constant 0 : i32
        %dma_start3A_44 = tpu.memref_slice %arg3[%run_scoped3A_27, %add3A, %mul3A_26, %dma_start3A_43] : memref<2x32x80x128xi32, #tpu.memory_space<hbm>> -> memref<1x1x40x128xi32, #tpu.memory_space<hbm>>
        %dma_start3A_45 = tpu.memref_squeeze %dma_start3A_44 : memref<1x1x40x128xi32, #tpu.memory_space<hbm>> -> memref<40x128xi32, #tpu.memory_space<hbm>>
        tpu.enqueue_dma source(%dma_start3A_45 : memref<40x128xi32, #tpu.memory_space<hbm>>) target(%arg6 : memref<40x128xi32, #tpu.memory_space<vmem>>) target_semaphore(%run_scoped3A_39 : memref<!tpu.dma_semaphore, #tpu.memory_space<semaphore_mem>>)
        %dma_wait3A = arith.constant 0 : i32
        %dma_wait3A_46 = tpu.memref_slice %arg3[%run_scoped3A_27, %add3A, %mul3A_26, %dma_wait3A] : memref<2x32x80x128xi32, #tpu.memory_space<hbm>> -> memref<1x1x40x128xi32, #tpu.memory_space<hbm>>
        %dma_wait3A_47 = tpu.memref_squeeze %dma_wait3A_46 : memref<1x1x40x128xi32, #tpu.memory_space<hbm>> -> memref<40x128xi32, #tpu.memory_space<hbm>>
        %dma_wait3A_48 = arith.constant 0 : i32
        %dma_wait3A_49 = tpu.memref_slice %arg3[%run_scoped3A_27, %add3A, %mul3A_26, %dma_wait3A_48] : memref<2x32x80x128xi32, #tpu.memory_space<hbm>> -> memref<1x1x40x128xi32, #tpu.memory_space<hbm>>
        %dma_wait3A_50 = tpu.memref_squeeze %dma_wait3A_49 : memref<1x1x40x128xi32, #tpu.memory_space<hbm>> -> memref<40x128xi32, #tpu.memory_space<hbm>>
        tpu.wait_dma2 semaphore(%run_scoped3A_39 : memref<!tpu.dma_semaphore, #tpu.memory_space<semaphore_mem>>) src(%dma_wait3A_50 : memref<40x128xi32, #tpu.memory_space<hbm>>) dst(%arg6 : memref<40x128xi32, #tpu.memory_space<vmem>>)
        tpu.yield
      }) : () -> ()
      %dma_start3A = arith.constant 0 : i32
      %dma_start3A_28 = arith.constant 0 : i32
      %dma_start3A_29 = tpu.memref_slice %arg5[%dma_start3A, %dma_start3A_28] : memref<40x128xi32, #tpu.memory_space<vmem>> -> memref<1x128xi32, #tpu.memory_space<vmem>>
      %dma_start3A_30 = tpu.memref_squeeze %dma_start3A_29 : memref<1x128xi32, #tpu.memory_space<vmem>> -> memref<128xi32, #tpu.memory_space<vmem>>
      %dma_start3A_31 = arith.constant 0 : i32
      %dma_start3A_32 = arith.constant 0 : i32
      %dma_start3A_33 = tpu.memref_slice %arg2[%dma_start3A_31, %dma_start3A_32] : memref<10000x128xf32, #tpu.memory_space<hbm>> -> memref<10000x128xf32, #tpu.memory_space<hbm>>
      tpu.enqueue_indirect_dma source(%dma_start3A_33 : memref<10000x128xf32, #tpu.memory_space<hbm>>) target(%arg7 : memref<128x128xf32, #tpu.memory_space<vmem>>) offsets(%dma_start3A_30 : memref<128xi32, #tpu.memory_space<vmem>>) semaphore(%arg11 : memref<!tpu.dma_semaphore, #tpu.memory_space<semaphore_mem>>)
      %scan3A_34 = arith.constant 0 : i32
      %scan3A_35 = arith.constant 20 : i32
      %scan3A_36 = arith.addi %scan3A_34, %scan3A_35 : i32
      %scan3A_37 = arith.constant 1 : i32
      scf.for %scan3A_39 = %scan3A_34 to %scan3A_36 step %scan3A_37  : i32 {
        %mul3A_40 = arith.constant 1 : i32
        %mul3A_41 = arith.muli %scan3A_39, %mul3A_40 : i32
        %add3A_42 = arith.constant 0 : i32
        %add3A_43 = arith.addi %add3A_42, %mul3A_41 : i32
        %mul3A_44 = arith.constant 2 : i32
        %mul3A_45 = arith.muli %mul3A_44, %add3A_43 : i32
        %add3A_46 = arith.constant 1 : i32
        %add3A_47 = arith.addi %mul3A_45, %add3A_46 : i32
        %dma_start3A_48 = arith.constant 0 : i32
        %dma_start3A_49 = tpu.memref_slice %arg5[%add3A_47, %dma_start3A_48] : memref<40x128xi32, #tpu.memory_space<vmem>> -> memref<1x128xi32, #tpu.memory_space<vmem>>
        %dma_start3A_50 = tpu.memref_squeeze %dma_start3A_49 : memref<1x128xi32, #tpu.memory_space<vmem>> -> memref<128xi32, #tpu.memory_space<vmem>>
        %dma_start3A_51 = arith.constant 0 : i32
        %dma_start3A_52 = arith.constant 0 : i32
        %dma_start3A_53 = tpu.memref_slice %arg2[%dma_start3A_51, %dma_start3A_52] : memref<10000x128xf32, #tpu.memory_space<hbm>> -> memref<10000x128xf32, #tpu.memory_space<hbm>>
        tpu.enqueue_indirect_dma source(%dma_start3A_53 : memref<10000x128xf32, #tpu.memory_space<hbm>>) target(%arg8 : memref<128x128xf32, #tpu.memory_space<vmem>>) offsets(%dma_start3A_50 : memref<128xi32, #tpu.memory_space<vmem>>) semaphore(%arg12 : memref<!tpu.dma_semaphore, #tpu.memory_space<semaphore_mem>>)
        %dma_wait3A = arith.constant 0 : i32
        %dma_wait3A_54 = tpu.memref_slice %arg5[%mul3A_45, %dma_wait3A] : memref<40x128xi32, #tpu.memory_space<vmem>> -> memref<1x128xi32, #tpu.memory_space<vmem>>
        %dma_wait3A_55 = tpu.memref_squeeze %dma_wait3A_54 : memref<1x128xi32, #tpu.memory_space<vmem>> -> memref<128xi32, #tpu.memory_space<vmem>>
        %dma_wait3A_56 = arith.constant 0 : i32
        %dma_wait3A_57 = arith.constant 0 : i32
        %dma_wait3A_58 = tpu.memref_slice %arg2[%dma_wait3A_56, %dma_wait3A_57] : memref<10000x128xf32, #tpu.memory_space<hbm>> -> memref<10000x128xf32, #tpu.memory_space<hbm>>
        tpu.wait_indirect_dma semaphore(%arg11 : memref<!tpu.dma_semaphore, #tpu.memory_space<semaphore_mem>>) src(%dma_wait3A_58 : memref<10000x128xf32, #tpu.memory_space<hbm>>) dst(%arg7 : memref<128x128xf32, #tpu.memory_space<vmem>>)
        "tpu.region"() ({
          %run_scoped3A_69 = tpu.sem_alloc : memref<!tpu.dma_semaphore, #tpu.memory_space<semaphore_mem>>
          %dma_start3A_70 = arith.constant 0 : i32
          %dma_start3A_71 = tpu.memref_slice %arg6[%mul3A_45, %dma_start3A_70] : memref<40x128xi32, #tpu.memory_space<vmem>> -> memref<1x128xi32, #tpu.memory_space<vmem>>
          %dma_start3A_72 = tpu.memref_squeeze %dma_start3A_71 : memref<1x128xi32, #tpu.memory_space<vmem>> -> memref<128xi32, #tpu.memory_space<vmem>>
          %dma_start3A_73 = arith.constant 0 : i32
          %dma_start3A_74 = arith.constant 0 : i32
          %dma_start3A_75 = tpu.memref_slice %arg10[%dma_start3A_73, %dma_start3A_74] : memref<10240x128xf32, #tpu.memory_space<vmem_shared>> -> memref<10240x128xf32, #tpu.memory_space<vmem_shared>>
          tpu.enqueue_indirect_dma source(%arg7 : memref<128x128xf32, #tpu.memory_space<vmem>>) target(%dma_start3A_75 : memref<10240x128xf32, #tpu.memory_space<vmem_shared>>) offsets(%dma_start3A_72 : memref<128xi32, #tpu.memory_space<vmem>>) semaphore(%run_scoped3A_69 : memref<!tpu.dma_semaphore, #tpu.memory_space<semaphore_mem>>) {add = true}
          %dma_wait3A_76 = arith.constant 0 : i32
          %dma_wait3A_77 = tpu.memref_slice %arg6[%mul3A_45, %dma_wait3A_76] : memref<40x128xi32, #tpu.memory_space<vmem>> -> memref<1x128xi32, #tpu.memory_space<vmem>>
          %dma_wait3A_78 = tpu.memref_squeeze %dma_wait3A_77 : memref<1x128xi32, #tpu.memory_space<vmem>> -> memref<128xi32, #tpu.memory_space<vmem>>
          %dma_wait3A_79 = arith.constant 0 : i32
          %dma_wait3A_80 = arith.constant 0 : i32
          %dma_wait3A_81 = tpu.memref_slice %arg10[%dma_wait3A_79, %dma_wait3A_80] : memref<10240x128xf32, #tpu.memory_space<vmem_shared>> -> memref<10240x128xf32, #tpu.memory_space<vmem_shared>>
          tpu.wait_indirect_dma semaphore(%run_scoped3A_69 : memref<!tpu.dma_semaphore, #tpu.memory_space<semaphore_mem>>) src(%arg7 : memref<128x128xf32, #tpu.memory_space<vmem>>) dst(%dma_wait3A_81 : memref<10240x128xf32, #tpu.memory_space<vmem_shared>>)
          tpu.yield
        }) : () -> ()
        %add3A_59 = arith.constant 2 : i32
        %add3A_60 = arith.addi %mul3A_45, %add3A_59 : i32
        %lt3A = arith.constant 40 : i32
        %lt3A_61 = arith.cmpi slt, %add3A_60, %lt3A : i32
        %convert_element_type3A = arith.extui %lt3A_61 : i1 to i32
        %cond3A = arith.constant 0 : i32
        %cond3A_62 = arith.cmpi ne, %convert_element_type3A, %cond3A : i32
        scf.if %cond3A_62 {
          %add3A_69 = arith.constant 2 : i32
          %add3A_70 = arith.addi %mul3A_45, %add3A_69 : i32
          %dma_start3A_71 = arith.constant 0 : i32
          %dma_start3A_72 = tpu.memref_slice %arg5[%add3A_70, %dma_start3A_71] : memref<40x128xi32, #tpu.memory_space<vmem>> -> memref<1x128xi32, #tpu.memory_space<vmem>>
          %dma_start3A_73 = tpu.memref_squeeze %dma_start3A_72 : memref<1x128xi32, #tpu.memory_space<vmem>> -> memref<128xi32, #tpu.memory_space<vmem>>
          %dma_start3A_74 = arith.constant 0 : i32
          %dma_start3A_75 = arith.constant 0 : i32
          %dma_start3A_76 = tpu.memref_slice %arg2[%dma_start3A_74, %dma_start3A_75] : memref<10000x128xf32, #tpu.memory_space<hbm>> -> memref<10000x128xf32, #tpu.memory_space<hbm>>
          tpu.enqueue_indirect_dma source(%dma_start3A_76 : memref<10000x128xf32, #tpu.memory_space<hbm>>) target(%arg7 : memref<128x128xf32, #tpu.memory_space<vmem>>) offsets(%dma_start3A_73 : memref<128xi32, #tpu.memory_space<vmem>>) semaphore(%arg11 : memref<!tpu.dma_semaphore, #tpu.memory_space<semaphore_mem>>)
        } else {
        }
        %dma_wait3A_63 = arith.constant 0 : i32
        %dma_wait3A_64 = tpu.memref_slice %arg5[%add3A_47, %dma_wait3A_63] : memref<40x128xi32, #tpu.memory_space<vmem>> -> memref<1x128xi32, #tpu.memory_space<vmem>>
        %dma_wait3A_65 = tpu.memref_squeeze %dma_wait3A_64 : memref<1x128xi32, #tpu.memory_space<vmem>> -> memref<128xi32, #tpu.memory_space<vmem>>
        %dma_wait3A_66 = arith.constant 0 : i32
        %dma_wait3A_67 = arith.constant 0 : i32
        %dma_wait3A_68 = tpu.memref_slice %arg2[%dma_wait3A_66, %dma_wait3A_67] : memref<10000x128xf32, #tpu.memory_space<hbm>> -> memref<10000x128xf32, #tpu.memory_space<hbm>>
        tpu.wait_indirect_dma semaphore(%arg12 : memref<!tpu.dma_semaphore, #tpu.memory_space<semaphore_mem>>) src(%dma_wait3A_68 : memref<10000x128xf32, #tpu.memory_space<hbm>>) dst(%arg8 : memref<128x128xf32, #tpu.memory_space<vmem>>)
        "tpu.region"() ({
          %run_scoped3A_69 = tpu.sem_alloc : memref<!tpu.dma_semaphore, #tpu.memory_space<semaphore_mem>>
          %dma_start3A_70 = arith.constant 0 : i32
          %dma_start3A_71 = tpu.memref_slice %arg6[%add3A_47, %dma_start3A_70] : memref<40x128xi32, #tpu.memory_space<vmem>> -> memref<1x128xi32, #tpu.memory_space<vmem>>
          %dma_start3A_72 = tpu.memref_squeeze %dma_start3A_71 : memref<1x128xi32, #tpu.memory_space<vmem>> -> memref<128xi32, #tpu.memory_space<vmem>>
          %dma_start3A_73 = arith.constant 0 : i32
          %dma_start3A_74 = arith.constant 0 : i32
          %dma_start3A_75 = tpu.memref_slice %arg10[%dma_start3A_73, %dma_start3A_74] : memref<10240x128xf32, #tpu.memory_space<vmem_shared>> -> memref<10240x128xf32, #tpu.memory_space<vmem_shared>>
          tpu.enqueue_indirect_dma source(%arg8 : memref<128x128xf32, #tpu.memory_space<vmem>>) target(%dma_start3A_75 : memref<10240x128xf32, #tpu.memory_space<vmem_shared>>) offsets(%dma_start3A_72 : memref<128xi32, #tpu.memory_space<vmem>>) semaphore(%run_scoped3A_69 : memref<!tpu.dma_semaphore, #tpu.memory_space<semaphore_mem>>) {add = true}
          %dma_wait3A_76 = arith.constant 0 : i32
          %dma_wait3A_77 = tpu.memref_slice %arg6[%add3A_47, %dma_wait3A_76] : memref<40x128xi32, #tpu.memory_space<vmem>> -> memref<1x128xi32, #tpu.memory_space<vmem>>
          %dma_wait3A_78 = tpu.memref_squeeze %dma_wait3A_77 : memref<1x128xi32, #tpu.memory_space<vmem>> -> memref<128xi32, #tpu.memory_space<vmem>>
          %dma_wait3A_79 = arith.constant 0 : i32
          %dma_wait3A_80 = arith.constant 0 : i32
          %dma_wait3A_81 = tpu.memref_slice %arg10[%dma_wait3A_79, %dma_wait3A_80] : memref<10240x128xf32, #tpu.memory_space<vmem_shared>> -> memref<10240x128xf32, #tpu.memory_space<vmem_shared>>
          tpu.wait_indirect_dma semaphore(%run_scoped3A_69 : memref<!tpu.dma_semaphore, #tpu.memory_space<semaphore_mem>>) src(%arg8 : memref<128x128xf32, #tpu.memory_space<vmem>>) dst(%dma_wait3A_81 : memref<10240x128xf32, #tpu.memory_space<vmem_shared>>)
          tpu.yield
        }) : () -> ()
      }
      %scan3A_38 = arith.constant 20 : i32
    }
    %scan3A_16 = arith.constant 2 : i32
    %barrier3A_17 = arith.constant 0 : index
    tpu.barrier barrier_id(%barrier3A_17)
    "tpu.region"() ({
      %run_scoped3A = tpu.sem_alloc : memref<!tpu.dma_semaphore, #tpu.memory_space<semaphore_mem>>
      %dma_start3A = arith.constant 0 : i32
      %dma_start3A_18 = tpu.memref_slice %arg4[%arg0, %mul3A_2, %dma_start3A] : memref<2x10240x128xf32, #tpu.memory_space<hbm>> -> memref<1x640x128xf32, #tpu.memory_space<hbm>>
      %dma_start3A_19 = tpu.memref_squeeze %dma_start3A_18 : memref<1x640x128xf32, #tpu.memory_space<hbm>> -> memref<640x128xf32, #tpu.memory_space<hbm>>
      %dma_start3A_20 = arith.constant 0 : i32
      %dma_start3A_21 = tpu.memref_slice %arg10[%mul3A_2, %dma_start3A_20] : memref<10240x128xf32, #tpu.memory_space<vmem_shared>> -> memref<640x128xf32, #tpu.memory_space<vmem_shared>>
      tpu.enqueue_dma source(%dma_start3A_21 : memref<640x128xf32, #tpu.memory_space<vmem_shared>>) target(%dma_start3A_19 : memref<640x128xf32, #tpu.memory_space<hbm>>) target_semaphore(%run_scoped3A : memref<!tpu.dma_semaphore, #tpu.memory_space<semaphore_mem>>)
      %dma_wait3A = arith.constant 0 : i32
      %dma_wait3A_22 = tpu.memref_slice %arg4[%arg0, %mul3A_2, %dma_wait3A] : memref<2x10240x128xf32, #tpu.memory_space<hbm>> -> memref<1x640x128xf32, #tpu.memory_space<hbm>>
      %dma_wait3A_23 = tpu.memref_squeeze %dma_wait3A_22 : memref<1x640x128xf32, #tpu.memory_space<hbm>> -> memref<640x128xf32, #tpu.memory_space<hbm>>
      %dma_wait3A_24 = arith.constant 0 : i32
      %dma_wait3A_25 = tpu.memref_slice %arg10[%mul3A_2, %dma_wait3A_24] : memref<10240x128xf32, #tpu.memory_space<vmem_shared>> -> memref<640x128xf32, #tpu.memory_space<vmem_shared>>
      tpu.wait_dma2 semaphore(%run_scoped3A : memref<!tpu.dma_semaphore, #tpu.memory_space<semaphore_mem>>) src(%dma_wait3A_25 : memref<640x128xf32, #tpu.memory_space<vmem_shared>>) dst(%dma_wait3A_23 : memref<640x128xf32, #tpu.memory_space<hbm>>)
      tpu.yield
    }) : () -> ()
    return
  }
}

#map = affine_map<(d0, d1) -> (0, 0, 0, 0)>
#map1 = affine_map<(d0, d1) -> (0, 0, 0)>
module attributes {stable_mosaic.version = 14 : i64} {
  func.func @body(%arg0: i32, %arg1: i32, %arg2: memref<2x32x80x128xi32, #tpu.memory_space<hbm>>, %arg3: memref<2x10240x128xf32, #tpu.memory_space<hbm>>, %arg4: memref<80x128xi32, #tpu.memory_space<vmem>>, %arg5: memref<128x128xf32, #tpu.memory_space<vmem>>, %arg6: memref<16x128xf32, #tpu.memory_space<vmem>>, %arg7: memref<10240x128xf32, #tpu.memory_space<vmem_shared>>) attributes {dimension_semantics = [#tpu.dimension_semantics<core_parallel>, #tpu.dimension_semantics<subcore_parallel>], iteration_bounds = array<i64: 2, 16>, scalar_prefetch = 0 : i64, scratch_operands = 4 : i64, tpu.core_type = #tpu.core_type<sc_vector_subcore>, window_params = [{transform_indices = #map}, {transform_indices = #map1}]} {
    %mul3A = arith.constant 16 : i32
    %mul3A_0 = arith.muli %arg0, %mul3A : i32
    %add3A = arith.addi %mul3A_0, %arg1 : i32
    %mul3A_1 = arith.constant 640 : i32
    %mul3A_2 = arith.muli %arg1, %mul3A_1 : i32
    %scan3A = arith.constant 0 : i32
    %scan3A_3 = arith.constant 128 : i32
    %scan3A_4 = arith.addi %scan3A, %scan3A_3 : i32
    %scan3A_5 = arith.constant 1 : i32
    scf.for %scan3A_23 = %scan3A to %scan3A_4 step %scan3A_5  : i32 {
      %mul3A_24 = arith.constant 1 : i32
      %mul3A_25 = arith.muli %scan3A_23, %mul3A_24 : i32
      %add3A_26 = arith.constant 0 : i32
      %add3A_27 = arith.addi %add3A_26, %mul3A_25 : i32
      %scan3A_28 = arith.constant 0 : i32
      %scan3A_29 = arith.constant 8 : i32
      %scan3A_30 = arith.addi %scan3A_28, %scan3A_29 : i32
      %scan3A_31 = arith.constant 1 : i32
      scf.for %scan3A_33 = %scan3A_28 to %scan3A_30 step %scan3A_31  : i32 {
        %mul3A_34 = arith.constant 16 : i32
        %mul3A_35 = arith.muli %scan3A_33, %mul3A_34 : i32
        %add3A_36 = arith.constant 0 : i32
        %add3A_37 = arith.addi %add3A_36, %mul3A_35 : i32
        %broadcast_in_dim3A = arith.constant 1.000000e+00 : f32
        %broadcast_in_dim3A_38 = vector.broadcast %broadcast_in_dim3A : f32 to vector<16xf32>
        %swap3A = arith.index_cast %add3A_27 : i32 to index
        %swap3A_39 = arith.index_cast %add3A_37 : i32 to index
        %swap3A_40 = tpu.vector_load %arg5[%swap3A, %swap3A_39] {strides = array<i32>} : memref<128x128xf32, #tpu.memory_space<vmem>>, vector<1x16xf32>,
        %swap3A_41 = vector.shape_cast %swap3A_40 : vector<1x16xf32> to vector<16xf32>
        %swap3A_42 = vector.shape_cast %broadcast_in_dim3A_38 : vector<16xf32> to vector<1x16xf32>
        tpu.vector_store %arg5[%swap3A, %swap3A_39], %swap3A_42 {strides = array<i32>} : memref<128x128xf32, #tpu.memory_space<vmem>>, vector<1x16xf32>,
      }
      %scan3A_32 = arith.constant 8 : i32
    }
    %scan3A_6 = arith.constant 128 : i32
    %scan3A_7 = arith.constant 0 : i32
    %scan3A_8 = arith.constant 16 : i32
    %scan3A_9 = arith.addi %scan3A_7, %scan3A_8 : i32
    %scan3A_10 = arith.constant 1 : i32
    scf.for %scan3A_23 = %scan3A_7 to %scan3A_9 step %scan3A_10  : i32 {
      %mul3A_24 = arith.constant 1 : i32
      %mul3A_25 = arith.muli %scan3A_23, %mul3A_24 : i32
      %add3A_26 = arith.constant 0 : i32
      %add3A_27 = arith.addi %add3A_26, %mul3A_25 : i32
      %scan3A_28 = arith.constant 0 : i32
      %scan3A_29 = arith.constant 8 : i32
      %scan3A_30 = arith.addi %scan3A_28, %scan3A_29 : i32
      %scan3A_31 = arith.constant 1 : i32
      scf.for %scan3A_33 = %scan3A_28 to %scan3A_30 step %scan3A_31  : i32 {
        %mul3A_34 = arith.constant 16 : i32
        %mul3A_35 = arith.muli %scan3A_33, %mul3A_34 : i32
        %add3A_36 = arith.constant 0 : i32
        %add3A_37 = arith.addi %add3A_36, %mul3A_35 : i32
        %broadcast_in_dim3A = arith.constant 0.000000e+00 : f32
        %broadcast_in_dim3A_38 = vector.broadcast %broadcast_in_dim3A : f32 to vector<16xf32>
        %swap3A = arith.index_cast %add3A_27 : i32 to index
        %swap3A_39 = arith.index_cast %add3A_37 : i32 to index
        %swap3A_40 = tpu.vector_load %arg6[%swap3A, %swap3A_39] {strides = array<i32>} : memref<16x128xf32, #tpu.memory_space<vmem>>, vector<1x16xf32>,
        %swap3A_41 = vector.shape_cast %swap3A_40 : vector<1x16xf32> to vector<16xf32>
        %swap3A_42 = vector.shape_cast %broadcast_in_dim3A_38 : vector<16xf32> to vector<1x16xf32>
        tpu.vector_store %arg6[%swap3A, %swap3A_39], %swap3A_42 {strides = array<i32>} : memref<16x128xf32, #tpu.memory_space<vmem>>, vector<1x16xf32>,
      }
      %scan3A_32 = arith.constant 8 : i32
    }
    %scan3A_11 = arith.constant 16 : i32
    %scan3A_12 = arith.constant 0 : i32
    %scan3A_13 = arith.constant 40 : i32
    %scan3A_14 = arith.addi %scan3A_12, %scan3A_13 : i32
    %scan3A_15 = arith.constant 1 : i32
    scf.for %scan3A_23 = %scan3A_12 to %scan3A_14 step %scan3A_15  : i32 {
      %mul3A_24 = arith.constant 16 : i32
      %mul3A_25 = arith.muli %scan3A_23, %mul3A_24 : i32
      %add3A_26 = arith.constant 0 : i32
      %add3A_27 = arith.addi %add3A_26, %mul3A_25 : i32
      %add3A_28 = arith.addi %mul3A_2, %add3A_27 : i32
      "tpu.region"() ({
        %run_scoped3A_29 = tpu.sem_alloc : memref<!tpu.dma_semaphore, #tpu.memory_space<semaphore_mem>>
        %dma_start3A = arith.constant 0 : i32
        %dma_start3A_30 = tpu.memref_slice %arg7[%add3A_28, %dma_start3A] : memref<10240x128xf32, #tpu.memory_space<vmem_shared>> -> memref<16x128xf32, #tpu.memory_space<vmem_shared>>
        %dma_start3A_31 = arith.constant 0 : i32
        %dma_start3A_32 = tpu.memref_slice %arg7[%add3A_28, %dma_start3A_31] : memref<10240x128xf32, #tpu.memory_space<vmem_shared>> -> memref<16x128xf32, #tpu.memory_space<vmem_shared>>
        tpu.enqueue_dma source(%arg6 : memref<16x128xf32, #tpu.memory_space<vmem>>) target(%dma_start3A_32 : memref<16x128xf32, #tpu.memory_space<vmem_shared>>) target_semaphore(%run_scoped3A_29 : memref<!tpu.dma_semaphore, #tpu.memory_space<semaphore_mem>>)
        %dma_wait3A = arith.constant 0 : i32
        %dma_wait3A_33 = tpu.memref_slice %arg7[%add3A_28, %dma_wait3A] : memref<10240x128xf32, #tpu.memory_space<vmem_shared>> -> memref<16x128xf32, #tpu.memory_space<vmem_shared>>
        %dma_wait3A_34 = arith.constant 0 : i32
        %dma_wait3A_35 = tpu.memref_slice %arg7[%add3A_28, %dma_wait3A_34] : memref<10240x128xf32, #tpu.memory_space<vmem_shared>> -> memref<16x128xf32, #tpu.memory_space<vmem_shared>>
        tpu.wait_dma2 semaphore(%run_scoped3A_29 : memref<!tpu.dma_semaphore, #tpu.memory_space<semaphore_mem>>) src(%arg6 : memref<16x128xf32, #tpu.memory_space<vmem>>) dst(%dma_wait3A_35 : memref<16x128xf32, #tpu.memory_space<vmem_shared>>)
        tpu.yield
      }) : () -> ()
    }
    %scan3A_16 = arith.constant 40 : i32
    %run_scoped3A = arith.constant 1 : i32
    "tpu.region"() ({
      %run_scoped3A_23 = tpu.sem_alloc : memref<!tpu.dma_semaphore, #tpu.memory_space<semaphore_mem>>
      %dma_start3A = arith.constant 0 : i32
      %dma_start3A_24 = arith.constant 0 : i32
      %dma_start3A_25 = tpu.memref_slice %arg2[%run_scoped3A, %add3A, %dma_start3A, %dma_start3A_24] : memref<2x32x80x128xi32, #tpu.memory_space<hbm>> -> memref<1x1x80x128xi32, #tpu.memory_space<hbm>>
      %dma_start3A_26 = tpu.memref_squeeze %dma_start3A_25 : memref<1x1x80x128xi32, #tpu.memory_space<hbm>> -> memref<80x128xi32, #tpu.memory_space<hbm>>
      %dma_start3A_27 = arith.constant 0 : i32
      %dma_start3A_28 = arith.constant 0 : i32
      %dma_start3A_29 = tpu.memref_slice %arg2[%run_scoped3A, %add3A, %dma_start3A_27, %dma_start3A_28] : memref<2x32x80x128xi32, #tpu.memory_space<hbm>> -> memref<1x1x80x128xi32, #tpu.memory_space<hbm>>
      %dma_start3A_30 = tpu.memref_squeeze %dma_start3A_29 : memref<1x1x80x128xi32, #tpu.memory_space<hbm>> -> memref<80x128xi32, #tpu.memory_space<hbm>>
      tpu.enqueue_dma source(%dma_start3A_30 : memref<80x128xi32, #tpu.memory_space<hbm>>) target(%arg4 : memref<80x128xi32, #tpu.memory_space<vmem>>) target_semaphore(%run_scoped3A_23 : memref<!tpu.dma_semaphore, #tpu.memory_space<semaphore_mem>>)
      %dma_wait3A = arith.constant 0 : i32
      %dma_wait3A_31 = arith.constant 0 : i32
      %dma_wait3A_32 = tpu.memref_slice %arg2[%run_scoped3A, %add3A, %dma_wait3A, %dma_wait3A_31] : memref<2x32x80x128xi32, #tpu.memory_space<hbm>> -> memref<1x1x80x128xi32, #tpu.memory_space<hbm>>
      %dma_wait3A_33 = tpu.memref_squeeze %dma_wait3A_32 : memref<1x1x80x128xi32, #tpu.memory_space<hbm>> -> memref<80x128xi32, #tpu.memory_space<hbm>>
      %dma_wait3A_34 = arith.constant 0 : i32
      %dma_wait3A_35 = arith.constant 0 : i32
      %dma_wait3A_36 = tpu.memref_slice %arg2[%run_scoped3A, %add3A, %dma_wait3A_34, %dma_wait3A_35] : memref<2x32x80x128xi32, #tpu.memory_space<hbm>> -> memref<1x1x80x128xi32, #tpu.memory_space<hbm>>
      %dma_wait3A_37 = tpu.memref_squeeze %dma_wait3A_36 : memref<1x1x80x128xi32, #tpu.memory_space<hbm>> -> memref<80x128xi32, #tpu.memory_space<hbm>>
      tpu.wait_dma2 semaphore(%run_scoped3A_23 : memref<!tpu.dma_semaphore, #tpu.memory_space<semaphore_mem>>) src(%dma_wait3A_37 : memref<80x128xi32, #tpu.memory_space<hbm>>) dst(%arg4 : memref<80x128xi32, #tpu.memory_space<vmem>>)
      tpu.yield
    }) : () -> ()
    %barrier3A = arith.constant 0 : index
    tpu.barrier barrier_id(%barrier3A)
    %scan3A_17 = arith.constant 0 : i32
    %scan3A_18 = arith.constant 80 : i32
    %scan3A_19 = arith.addi %scan3A_17, %scan3A_18 : i32
    %scan3A_20 = arith.constant 1 : i32
    scf.for %scan3A_23 = %scan3A_17 to %scan3A_19 step %scan3A_20  : i32 {
      %mul3A_24 = arith.constant 1 : i32
      %mul3A_25 = arith.muli %scan3A_23, %mul3A_24 : i32
      %add3A_26 = arith.constant 0 : i32
      %add3A_27 = arith.addi %add3A_26, %mul3A_25 : i32
      "tpu.region"() ({
        %run_scoped3A_28 = tpu.sem_alloc : memref<!tpu.dma_semaphore, #tpu.memory_space<semaphore_mem>>
        %dma_start3A = arith.constant 0 : i32
        %dma_start3A_29 = tpu.memref_slice %arg4[%add3A_27, %dma_start3A] : memref<80x128xi32, #tpu.memory_space<vmem>> -> memref<1x128xi32, #tpu.memory_space<vmem>>
        %dma_start3A_30 = tpu.memref_squeeze %dma_start3A_29 : memref<1x128xi32, #tpu.memory_space<vmem>> -> memref<128xi32, #tpu.memory_space<vmem>>
        %dma_start3A_31 = arith.constant 0 : i32
        %dma_start3A_32 = arith.constant 0 : i32
        %dma_start3A_33 = tpu.memref_slice %arg7[%dma_start3A_31, %dma_start3A_32] : memref<10240x128xf32, #tpu.memory_space<vmem_shared>> -> memref<10240x128xf32, #tpu.memory_space<vmem_shared>>
        tpu.enqueue_indirect_dma source(%arg5 : memref<128x128xf32, #tpu.memory_space<vmem>>) target(%dma_start3A_33 : memref<10240x128xf32, #tpu.memory_space<vmem_shared>>) offsets(%dma_start3A_30 : memref<128xi32, #tpu.memory_space<vmem>>) semaphore(%run_scoped3A_28 : memref<!tpu.dma_semaphore, #tpu.memory_space<semaphore_mem>>) {add = true}
        %dma_wait3A = arith.constant 0 : i32
        %dma_wait3A_34 = tpu.memref_slice %arg4[%add3A_27, %dma_wait3A] : memref<80x128xi32, #tpu.memory_space<vmem>> -> memref<1x128xi32, #tpu.memory_space<vmem>>
        %dma_wait3A_35 = tpu.memref_squeeze %dma_wait3A_34 : memref<1x128xi32, #tpu.memory_space<vmem>> -> memref<128xi32, #tpu.memory_space<vmem>>
        %dma_wait3A_36 = arith.constant 0 : i32
        %dma_wait3A_37 = arith.constant 0 : i32
        %dma_wait3A_38 = tpu.memref_slice %arg7[%dma_wait3A_36, %dma_wait3A_37] : memref<10240x128xf32, #tpu.memory_space<vmem_shared>> -> memref<10240x128xf32, #tpu.memory_space<vmem_shared>>
        tpu.wait_indirect_dma semaphore(%run_scoped3A_28 : memref<!tpu.dma_semaphore, #tpu.memory_space<semaphore_mem>>) src(%arg5 : memref<128x128xf32, #tpu.memory_space<vmem>>) dst(%dma_wait3A_38 : memref<10240x128xf32, #tpu.memory_space<vmem_shared>>)
        tpu.yield
      }) : () -> ()
    }
    %scan3A_21 = arith.constant 80 : i32
    %barrier3A_22 = arith.constant 0 : index
    tpu.barrier barrier_id(%barrier3A_22)
    "tpu.region"() ({
      %run_scoped3A_23 = tpu.sem_alloc : memref<!tpu.dma_semaphore, #tpu.memory_space<semaphore_mem>>
      %dma_start3A = arith.constant 0 : i32
      %dma_start3A_24 = tpu.memref_slice %arg3[%arg0, %mul3A_2, %dma_start3A] : memref<2x10240x128xf32, #tpu.memory_space<hbm>> -> memref<1x640x128xf32, #tpu.memory_space<hbm>>
      %dma_start3A_25 = tpu.memref_squeeze %dma_start3A_24 : memref<1x640x128xf32, #tpu.memory_space<hbm>> -> memref<640x128xf32, #tpu.memory_space<hbm>>
      %dma_start3A_26 = arith.constant 0 : i32
      %dma_start3A_27 = tpu.memref_slice %arg7[%mul3A_2, %dma_start3A_26] : memref<10240x128xf32, #tpu.memory_space<vmem_shared>> -> memref<640x128xf32, #tpu.memory_space<vmem_shared>>
      tpu.enqueue_dma source(%dma_start3A_27 : memref<640x128xf32, #tpu.memory_space<vmem_shared>>) target(%dma_start3A_25 : memref<640x128xf32, #tpu.memory_space<hbm>>) target_semaphore(%run_scoped3A_23 : memref<!tpu.dma_semaphore, #tpu.memory_space<semaphore_mem>>)
      %dma_wait3A = arith.constant 0 : i32
      %dma_wait3A_28 = tpu.memref_slice %arg3[%arg0, %mul3A_2, %dma_wait3A] : memref<2x10240x128xf32, #tpu.memory_space<hbm>> -> memref<1x640x128xf32, #tpu.memory_space<hbm>>
      %dma_wait3A_29 = tpu.memref_squeeze %dma_wait3A_28 : memref<1x640x128xf32, #tpu.memory_space<hbm>> -> memref<640x128xf32, #tpu.memory_space<hbm>>
      %dma_wait3A_30 = arith.constant 0 : i32
      %dma_wait3A_31 = tpu.memref_slice %arg7[%mul3A_2, %dma_wait3A_30] : memref<10240x128xf32, #tpu.memory_space<vmem_shared>> -> memref<640x128xf32, #tpu.memory_space<vmem_shared>>
      tpu.wait_dma2 semaphore(%run_scoped3A_23 : memref<!tpu.dma_semaphore, #tpu.memory_space<semaphore_mem>>) src(%dma_wait3A_31 : memref<640x128xf32, #tpu.memory_space<vmem_shared>>) dst(%dma_wait3A_29 : memref<640x128xf32, #tpu.memory_space<hbm>>)
      tpu.yield
    }) : () -> ()
    return
  }
}

module attributes {stable_mosaic.version = 14 : i64} {
  func.func @_tc_in_body(%arg0: i32, %arg1: memref<1000x128xf32, #tpu.memory_space<vmem>>, %arg2: memref<128x128xf32, #tpu.memory_space<vmem>>, %arg3: memref<128x128xf32, #tpu.memory_space<vmem>>, %arg4: memref<1x128xf32, #tpu.memory_space<vmem>>, %arg5: memref<1000x128xf32, #tpu.memory_space<vmem>>, %arg6: memref<1000x128xf32, #tpu.memory_space<vmem>>) attributes {dimension_semantics = [#tpu.dimension_semantics<arbitrary>], iteration_bounds = array<i64: 10>, scalar_prefetch = 0 : i64, scratch_operands = 0 : i64, tpu.core_type = #tpu.core_type<tc>, window_params = [{transform_indices = @transform_0, window_bounds = array<i64: 1000, 128>}, {pipeline_mode = #tpu.pipeline_mode<synchronous>, transform_indices = @transform_1, window_bounds = array<i64: 128, 128>}, {pipeline_mode = #tpu.pipeline_mode<synchronous>, transform_indices = @transform_2, window_bounds = array<i64: 128, 128>}, {pipeline_mode = #tpu.pipeline_mode<synchronous>, transform_indices = @transform_3, window_bounds = array<i64: 1, 128>}, {transform_indices = @transform_4, window_bounds = array<i64: 1000, 128>}, {transform_indices = @transform_5, window_bounds = array<i64: 1000, 128>}]} {
    %get3A = arith.constant 0 : index
    %get3A_0 = arith.constant 0 : index
    %get3A_1 = vector.load %arg1[%get3A, %get3A_0] : memref<1000x128xf32, #tpu.memory_space<vmem>>, vector<1000x128xf32>
    %get3A_2 = arith.constant 0 : index
    %get3A_3 = arith.constant 0 : index
    %get3A_4 = vector.load %arg2[%get3A_2, %get3A_3] : memref<128x128xf32, #tpu.memory_space<vmem>>, vector<128x128xf32>
    %dot_general3A = arith.constant dense<0.000000e+00> : vector<1000x128xf32>
    %dot_general3A_5 = tpu.matmul %get3A_1, %get3A_4, %dot_general3A {dimension_numbers = #tpu.dot_dimension_numbers<[1], [0], [0], [1], [0, 0, 1, 1], [], []>, transpose_lhs_hint = false} : vector<1000x128xf32>, vector<128x128xf32>, vector<1000x128xf32> -> vector<1000x128xf32>
    %swap3A = arith.constant 0 : index
    %swap3A_6 = arith.constant 0 : index
    %swap3A_7 = vector.load %arg5[%swap3A, %swap3A_6] : memref<1000x128xf32, #tpu.memory_space<vmem>>, vector<1000x128xf32>
    tpu.vector_store %arg5[%swap3A, %swap3A_6], %dot_general3A_5 {strides = array<i32>} : memref<1000x128xf32, #tpu.memory_space<vmem>>, vector<1000x128xf32>,
    %get3A_8 = arith.constant 0 : index
    %get3A_9 = arith.constant 0 : index
    %get3A_10 = vector.load %arg3[%get3A_8, %get3A_9] : memref<128x128xf32, #tpu.memory_space<vmem>>, vector<128x128xf32>
    %dot_general3A_11 = arith.constant dense<0.000000e+00> : vector<1000x128xf32>
    %dot_general3A_12 = tpu.matmul %get3A_1, %get3A_10, %dot_general3A_11 {dimension_numbers = #tpu.dot_dimension_numbers<[1], [0], [0], [1], [0, 0, 1, 1], [], []>, transpose_lhs_hint = false} : vector<1000x128xf32>, vector<128x128xf32>, vector<1000x128xf32> -> vector<1000x128xf32>
    %get3A_13 = arith.constant 0 : index
    %get3A_14 = arith.constant 0 : index
    %get3A_15 = vector.load %arg4[%get3A_13, %get3A_14] : memref<1x128xf32, #tpu.memory_space<vmem>>, vector<1x128xf32>
    %add3A = vector.broadcast %get3A_15 : vector<1x128xf32> to vector<1000x128xf32>
    %add3A_16 = arith.addf %dot_general3A_12, %add3A : vector<1000x128xf32>
    %swap3A_17 = arith.constant 0 : index
    %swap3A_18 = arith.constant 0 : index
    %swap3A_19 = vector.load %arg6[%swap3A_17, %swap3A_18] : memref<1000x128xf32, #tpu.memory_space<vmem>>, vector<1000x128xf32>
    tpu.vector_store %arg6[%swap3A_17, %swap3A_18], %add3A_16 {strides = array<i32>} : memref<1000x128xf32, #tpu.memory_space<vmem>>, vector<1000x128xf32>,
    return
  }
  func.func @transform_0(%arg0: i32) -> (i32, i32) {
    %c0_i32 = arith.constant 0 : i32
    %c0_i32_0 = arith.constant 0 : i32
    return %arg0, %c0_i32 : i32, i32
  }
  func.func @transform_1(%arg0: i32) -> (i32, i32) {
    %c0_i32 = arith.constant 0 : i32
    %c0_i32_0 = arith.constant 0 : i32
    %c0_i32_1 = arith.constant 0 : i32
    return %c0_i32, %c0_i32_0 : i32, i32
  }
  func.func @transform_2(%arg0: i32) -> (i32, i32) {
    %c0_i32 = arith.constant 0 : i32
    %c0_i32_0 = arith.constant 0 : i32
    %c0_i32_1 = arith.constant 0 : i32
    return %c0_i32, %c0_i32_0 : i32, i32
  }
  func.func @transform_3(%arg0: i32) -> (i32, i32) {
    %c0_i32 = arith.constant 0 : i32
    %c0_i32_0 = arith.constant 0 : i32
    %c0_i32_1 = arith.constant 0 : i32
    return %c0_i32, %c0_i32_0 : i32, i32
  }
  func.func @transform_4(%arg0: i32) -> (i32, i32) {
    %c0_i32 = arith.constant 0 : i32
    %c0_i32_0 = arith.constant 0 : i32
    return %arg0, %c0_i32 : i32, i32
  }
  func.func @transform_5(%arg0: i32) -> (i32, i32) {
    %c0_i32 = arith.constant 0 : i32
    %c0_i32_0 = arith.constant 0 : i32
    return %arg0, %c0_i32 : i32, i32
  }
}

module attributes {stable_mosaic.version = 14 : i64} {
  func.func @_tc_mid_body(%arg0: i32, %arg1: memref<1000x128xf32, #tpu.memory_space<vmem>>, %arg2: memref<1000x128xf32, #tpu.memory_space<vmem>>, %arg3: memref<1000x128xf32, #tpu.memory_space<vmem>>, %arg4: memref<1000x128xf32, #tpu.memory_space<vmem>>, %arg5: memref<1000x128xf32, #tpu.memory_space<vmem>>, %arg6: memref<128x128xf32, #tpu.memory_space<vmem>>, %arg7: memref<128x128xf32, #tpu.memory_space<vmem>>, %arg8: memref<1x128xf32, #tpu.memory_space<vmem>>, %arg9: memref<1000x128xf32, #tpu.memory_space<vmem>>, %arg10: memref<1000x128xf32, #tpu.memory_space<vmem>>) attributes {dimension_semantics = [#tpu.dimension_semantics<arbitrary>], iteration_bounds = array<i64: 10>, scalar_prefetch = 0 : i64, scratch_operands = 0 : i64, tpu.core_type = #tpu.core_type<tc>, window_params = [{transform_indices = @transform_0, window_bounds = array<i64: 1000, 128>}, {transform_indices = @transform_1, window_bounds = array<i64: 1000, 128>}, {transform_indices = @transform_2, window_bounds = array<i64: 1000, 128>}, {transform_indices = @transform_3, window_bounds = array<i64: 1000, 128>}, {transform_indices = @transform_4, window_bounds = array<i64: 1000, 128>}, {pipeline_mode = #tpu.pipeline_mode<synchronous>, transform_indices = @transform_5, window_bounds = array<i64: 128, 128>}, {pipeline_mode = #tpu.pipeline_mode<synchronous>, transform_indices = @transform_6, window_bounds = array<i64: 128, 128>}, {pipeline_mode = #tpu.pipeline_mode<synchronous>, transform_indices = @transform_7, window_bounds = array<i64: 1, 128>}, {transform_indices = @transform_8, window_bounds = array<i64: 1000, 128>}, {transform_indices = @transform_9, window_bounds = array<i64: 1000, 128>}]} {
    %get3A = arith.constant 0 : index
    %get3A_0 = arith.constant 0 : index
    %get3A_1 = vector.load %arg3[%get3A, %get3A_0] : memref<1000x128xf32, #tpu.memory_space<vmem>>, vector<1000x128xf32>
    %slice3A = vector.extract_strided_slice %get3A_1 {offsets = [0, 0], sizes = [1000, 1], strides = [1, 1]} : vector<1000x128xf32> to vector<1000x1xf32>
    %get3A_2 = arith.constant 0 : index
    %get3A_3 = arith.constant 0 : index
    %get3A_4 = vector.load %arg4[%get3A_2, %get3A_3] : memref<1000x128xf32, #tpu.memory_space<vmem>>, vector<1000x128xf32>
    %slice3A_5 = vector.extract_strided_slice %get3A_4 {offsets = [0, 0], sizes = [1000, 1], strides = [1, 1]} : vector<1000x128xf32> to vector<1000x1xf32>
    %add3A = arith.addf %slice3A, %slice3A_5 : vector<1000x1xf32>
    %jit3A = arith.constant 1.000000e+00 : f32
    %max3A = vector.broadcast %jit3A : f32 to vector<1000x1xf32>
    %max3A_6 = arith.maximumf %max3A, %add3A : vector<1000x1xf32>
    %get3A_7 = arith.constant 0 : index
    %get3A_8 = arith.constant 0 : index
    %get3A_9 = vector.load %arg1[%get3A_7, %get3A_8] : memref<1000x128xf32, #tpu.memory_space<vmem>>, vector<1000x128xf32>
    %get3A_10 = arith.constant 0 : index
    %get3A_11 = arith.constant 0 : index
    %get3A_12 = vector.load %arg2[%get3A_10, %get3A_11] : memref<1000x128xf32, #tpu.memory_space<vmem>>, vector<1000x128xf32>
    %add3A_13 = arith.addf %get3A_9, %get3A_12 : vector<1000x128xf32>
    %div3A = vector.broadcast %max3A_6 : vector<1000x1xf32> to vector<1000x128xf32>
    %div3A_14 = arith.divf %add3A_13, %div3A : vector<1000x128xf32>
    %get3A_15 = arith.constant 0 : index
    %get3A_16 = arith.constant 0 : index
    %get3A_17 = vector.load %arg5[%get3A_15, %get3A_16] : memref<1000x128xf32, #tpu.memory_space<vmem>>, vector<1000x128xf32>
    %add3A_18 = arith.addf %div3A_14, %get3A_17 : vector<1000x128xf32>
    %gt3A = arith.constant 0.000000e+00 : f32
    %gt3A_19 = vector.broadcast %gt3A : f32 to vector<1000x128xf32>
    %gt3A_20 = arith.cmpf ogt, %add3A_18, %gt3A_19 : vector<1000x128xf32>
    %min3A = arith.constant 0.000000e+00 : f32
    %min3A_21 = vector.broadcast %min3A : f32 to vector<1000x128xf32>
    %min3A_22 = arith.minimumf %add3A_18, %min3A_21 : vector<1000x128xf32>
    %exp3A = math.exp %min3A_22 : vector<1000x128xf32>
    %sub3A = arith.constant 1.000000e+00 : f32
    %sub3A_23 = vector.broadcast %sub3A : f32 to vector<1000x128xf32>
    %sub3A_24 = arith.subf %exp3A, %sub3A_23 : vector<1000x128xf32>
    %select_n3A = arith.select %gt3A_20, %add3A_18, %sub3A_24 : vector<1000x128xi1>, vector<1000x128xf32>
    %get3A_25 = arith.constant 0 : index
    %get3A_26 = arith.constant 0 : index
    %get3A_27 = vector.load %arg6[%get3A_25, %get3A_26] : memref<128x128xf32, #tpu.memory_space<vmem>>, vector<128x128xf32>
    %dot_general3A = arith.constant dense<0.000000e+00> : vector<1000x128xf32>
    %dot_general3A_28 = tpu.matmul %select_n3A, %get3A_27, %dot_general3A {dimension_numbers = #tpu.dot_dimension_numbers<[1], [0], [0], [1], [0, 0, 1, 1], [], []>, transpose_lhs_hint = false} : vector<1000x128xf32>, vector<128x128xf32>, vector<1000x128xf32> -> vector<1000x128xf32>
    %swap3A = arith.constant 0 : index
    %swap3A_29 = arith.constant 0 : index
    %swap3A_30 = vector.load %arg9[%swap3A, %swap3A_29] : memref<1000x128xf32, #tpu.memory_space<vmem>>, vector<1000x128xf32>
    tpu.vector_store %arg9[%swap3A, %swap3A_29], %dot_general3A_28 {strides = array<i32>} : memref<1000x128xf32, #tpu.memory_space<vmem>>, vector<1000x128xf32>,
    %get3A_31 = arith.constant 0 : index
    %get3A_32 = arith.constant 0 : index
    %get3A_33 = vector.load %arg7[%get3A_31, %get3A_32] : memref<128x128xf32, #tpu.memory_space<vmem>>, vector<128x128xf32>
    %dot_general3A_34 = arith.constant dense<0.000000e+00> : vector<1000x128xf32>
    %dot_general3A_35 = tpu.matmul %select_n3A, %get3A_33, %dot_general3A_34 {dimension_numbers = #tpu.dot_dimension_numbers<[1], [0], [0], [1], [0, 0, 1, 1], [], []>, transpose_lhs_hint = false} : vector<1000x128xf32>, vector<128x128xf32>, vector<1000x128xf32> -> vector<1000x128xf32>
    %get3A_36 = arith.constant 0 : index
    %get3A_37 = arith.constant 0 : index
    %get3A_38 = vector.load %arg8[%get3A_36, %get3A_37] : memref<1x128xf32, #tpu.memory_space<vmem>>, vector<1x128xf32>
    %add3A_39 = vector.broadcast %get3A_38 : vector<1x128xf32> to vector<1000x128xf32>
    %add3A_40 = arith.addf %dot_general3A_35, %add3A_39 : vector<1000x128xf32>
    %swap3A_41 = arith.constant 0 : index
    %swap3A_42 = arith.constant 0 : index
    %swap3A_43 = vector.load %arg10[%swap3A_41, %swap3A_42] : memref<1000x128xf32, #tpu.memory_space<vmem>>, vector<1000x128xf32>
    tpu.vector_store %arg10[%swap3A_41, %swap3A_42], %add3A_40 {strides = array<i32>} : memref<1000x128xf32, #tpu.memory_space<vmem>>, vector<1000x128xf32>,
    return
  }
  func.func @transform_0(%arg0: i32) -> (i32, i32) {
    %c0_i32 = arith.constant 0 : i32
    %c0_i32_0 = arith.constant 0 : i32
    return %arg0, %c0_i32 : i32, i32
  }
  func.func @transform_1(%arg0: i32) -> (i32, i32) {
    %c0_i32 = arith.constant 0 : i32
    %c0_i32_0 = arith.constant 0 : i32
    return %arg0, %c0_i32 : i32, i32
  }
  func.func @transform_2(%arg0: i32) -> (i32, i32) {
    %c0_i32 = arith.constant 0 : i32
    %c0_i32_0 = arith.constant 0 : i32
    return %arg0, %c0_i32 : i32, i32
  }
  func.func @transform_3(%arg0: i32) -> (i32, i32) {
    %c0_i32 = arith.constant 0 : i32
    %c0_i32_0 = arith.constant 0 : i32
    return %arg0, %c0_i32 : i32, i32
  }
  func.func @transform_4(%arg0: i32) -> (i32, i32) {
    %c0_i32 = arith.constant 0 : i32
    %c0_i32_0 = arith.constant 0 : i32
    return %arg0, %c0_i32 : i32, i32
  }
  func.func @transform_5(%arg0: i32) -> (i32, i32) {
    %c0_i32 = arith.constant 0 : i32
    %c0_i32_0 = arith.constant 0 : i32
    %c0_i32_1 = arith.constant 0 : i32
    return %c0_i32, %c0_i32_0 : i32, i32
  }
  func.func @transform_6(%arg0: i32) -> (i32, i32) {
    %c0_i32 = arith.constant 0 : i32
    %c0_i32_0 = arith.constant 0 : i32
    %c0_i32_1 = arith.constant 0 : i32
    return %c0_i32, %c0_i32_0 : i32, i32
  }
  func.func @transform_7(%arg0: i32) -> (i32, i32) {
    %c0_i32 = arith.constant 0 : i32
    %c0_i32_0 = arith.constant 0 : i32
    %c0_i32_1 = arith.constant 0 : i32
    return %c0_i32, %c0_i32_0 : i32, i32
  }
  func.func @transform_8(%arg0: i32) -> (i32, i32) {
    %c0_i32 = arith.constant 0 : i32
    %c0_i32_0 = arith.constant 0 : i32
    return %arg0, %c0_i32 : i32, i32
  }
  func.func @transform_9(%arg0: i32) -> (i32, i32) {
    %c0_i32 = arith.constant 0 : i32
    %c0_i32_0 = arith.constant 0 : i32
    return %arg0, %c0_i32 : i32, i32
  }
}

module attributes {stable_mosaic.version = 14 : i64} {
  func.func @_tc_out_body(%arg0: i32, %arg1: memref<1000x128xf32, #tpu.memory_space<vmem>>, %arg2: memref<1000x128xf32, #tpu.memory_space<vmem>>, %arg3: memref<1000x128xf32, #tpu.memory_space<vmem>>, %arg4: memref<1000x128xf32, #tpu.memory_space<vmem>>, %arg5: memref<1000x128xf32, #tpu.memory_space<vmem>>, %arg6: memref<1000x121xf32, #tpu.memory_space<vmem>>) attributes {dimension_semantics = [#tpu.dimension_semantics<arbitrary>], iteration_bounds = array<i64: 10>, scalar_prefetch = 0 : i64, scratch_operands = 0 : i64, tpu.core_type = #tpu.core_type<tc>, window_params = [{transform_indices = @transform_0, window_bounds = array<i64: 1000, 128>}, {transform_indices = @transform_1, window_bounds = array<i64: 1000, 128>}, {transform_indices = @transform_2, window_bounds = array<i64: 1000, 128>}, {transform_indices = @transform_3, window_bounds = array<i64: 1000, 128>}, {transform_indices = @transform_4, window_bounds = array<i64: 1000, 128>}, {transform_indices = @transform_5, window_bounds = array<i64: 1000, 121>}]} {
    %get3A = arith.constant 0 : index
    %get3A_0 = arith.constant 0 : index
    %get3A_1 = vector.load %arg3[%get3A, %get3A_0] : memref<1000x128xf32, #tpu.memory_space<vmem>>, vector<1000x128xf32>
    %slice3A = vector.extract_strided_slice %get3A_1 {offsets = [0, 0], sizes = [1000, 1], strides = [1, 1]} : vector<1000x128xf32> to vector<1000x1xf32>
    %get3A_2 = arith.constant 0 : index
    %get3A_3 = arith.constant 0 : index
    %get3A_4 = vector.load %arg4[%get3A_2, %get3A_3] : memref<1000x128xf32, #tpu.memory_space<vmem>>, vector<1000x128xf32>
    %slice3A_5 = vector.extract_strided_slice %get3A_4 {offsets = [0, 0], sizes = [1000, 1], strides = [1, 1]} : vector<1000x128xf32> to vector<1000x1xf32>
    %add3A = arith.addf %slice3A, %slice3A_5 : vector<1000x1xf32>
    %jit3A = arith.constant 1.000000e+00 : f32
    %max3A = vector.broadcast %jit3A : f32 to vector<1000x1xf32>
    %max3A_6 = arith.maximumf %max3A, %add3A : vector<1000x1xf32>
    %get3A_7 = arith.constant 0 : index
    %get3A_8 = arith.constant 0 : index
    %get3A_9 = vector.load %arg1[%get3A_7, %get3A_8] : memref<1000x128xf32, #tpu.memory_space<vmem>>, vector<1000x128xf32>
    %get3A_10 = arith.constant 0 : index
    %get3A_11 = arith.constant 0 : index
    %get3A_12 = vector.load %arg2[%get3A_10, %get3A_11] : memref<1000x128xf32, #tpu.memory_space<vmem>>, vector<1000x128xf32>
    %add3A_13 = arith.addf %get3A_9, %get3A_12 : vector<1000x128xf32>
    %div3A = vector.broadcast %max3A_6 : vector<1000x1xf32> to vector<1000x128xf32>
    %div3A_14 = arith.divf %add3A_13, %div3A : vector<1000x128xf32>
    %get3A_15 = arith.constant 0 : index
    %get3A_16 = arith.constant 0 : index
    %get3A_17 = vector.load %arg5[%get3A_15, %get3A_16] : memref<1000x128xf32, #tpu.memory_space<vmem>>, vector<1000x128xf32>
    %add3A_18 = arith.addf %div3A_14, %get3A_17 : vector<1000x128xf32>
    %slice3A_19 = vector.extract_strided_slice %add3A_18 {offsets = [0, 0], sizes = [1000, 121], strides = [1, 1]} : vector<1000x128xf32> to vector<1000x121xf32>
    %swap3A = arith.constant 0 : index
    %swap3A_20 = arith.constant 0 : index
    %swap3A_21 = vector.load %arg6[%swap3A, %swap3A_20] : memref<1000x121xf32, #tpu.memory_space<vmem>>, vector<1000x121xf32>
    tpu.vector_store %arg6[%swap3A, %swap3A_20], %slice3A_19 {strides = array<i32>} : memref<1000x121xf32, #tpu.memory_space<vmem>>, vector<1000x121xf32>,
    return
  }
  func.func @transform_0(%arg0: i32) -> (i32, i32) {
    %c0_i32 = arith.constant 0 : i32
    %c0_i32_0 = arith.constant 0 : i32
    return %arg0, %c0_i32 : i32, i32
  }
  func.func @transform_1(%arg0: i32) -> (i32, i32) {
    %c0_i32 = arith.constant 0 : i32
    %c0_i32_0 = arith.constant 0 : i32
    return %arg0, %c0_i32 : i32, i32
  }
  func.func @transform_2(%arg0: i32) -> (i32, i32) {
    %c0_i32 = arith.constant 0 : i32
    %c0_i32_0 = arith.constant 0 : i32
    return %arg0, %c0_i32 : i32, i32
  }
  func.func @transform_3(%arg0: i32) -> (i32, i32) {
    %c0_i32 = arith.constant 0 : i32
    %c0_i32_0 = arith.constant 0 : i32
    return %arg0, %c0_i32 : i32, i32
  }
  func.func @transform_4(%arg0: i32) -> (i32, i32) {
    %c0_i32 = arith.constant 0 : i32
    %c0_i32_0 = arith.constant 0 : i32
    return %arg0, %c0_i32 : i32, i32
  }
  func.func @transform_5(%arg0: i32) -> (i32, i32) {
    %c0_i32 = arith.constant 0 : i32
    %c0_i32_0 = arith.constant 0 : i32
    return %arg0, %c0_i32 : i32, i32
  }
}

</mosaic_0001>

<sc_bundles>
// kernel: kernel.11.cloned.1.call-start
scs
__scs_entry_jumppad:
0x0: {  	(pc) =	sbr.rel $0x88, $3  }
0x1: {  	(tag) =	ssettag $0x0;
	lr =	simm.s32 $0x1  }
0x2: {  	[smem:$0x3F95] =	sst lr;
	_ =	strace $0xD0000000  }
0x3: {  	_ = 	snop  }
0x4: {  	_ = 	snop  }
0x5: {  	_ = 	snop  }
0x6: {  	_ = 	snop  }
0x7: {  	_ = 	snop  }
__scs_overlays_trampoline_lowered:
0x8: {  	[smem:$0x3FA4] =	sst s0  }
0x9: {  	[smem:$0x3FA5] =	sst s1  }
0xa: {  	[smem:$0x3FA6] =	sst s2  }
0xb: {  	[smem:$0x3FA7] =	sst s3  }
0xc: {  	[smem:$0x3FA8] =	sst s4  }
0xd: {  	[smem:$0x3FA9] =	sst s5  }
0xe: {  	[smem:$0x3FAA] =	sst s6  }
0xf: {  	[smem:$0x3FAB] =	sst s7  }
0x10: {  	[smem:$0x3FAC] =	sst s8  }
0x11: {  	[smem:$0x3FAD] =	sst s9;
	s0 =	simm.s32 @!p0 $0x0  }
0x12: {  	s1 =	sld [smem:$0x3F93];
	s0 =	simm.s32 @p0 $0x1  }
0x13: {  	[smem:$0x3FAE] =	sst s0;
	s0 =	simm.s32 @!p1 $0x0  }
0x14: {  	s2 =	sld [smem:$0x3F92];
	s0 =	simm.s32 @p1 $0x1  }
0x15: {  	[smem:$0x3FAF] =	sst s0;
	s0 =	simm.s32 @!p2 $0x0  }
0x16: {  	s3 =	sld [smem:$0x3FDB];
	s0 =	simm.s32 @p2 $0x1  }
0x17: {  	s4 =	simm.s32 $0x1BF5;
	[smem:$0x3FB1] =	sst s0  }
0x18: {  	s0 =	sld [smem:$0x3F94];
	_ =	swait.ge [sflag:s4], $0x0  }
0x19: {  	s7 =	sld [smem:$0x3F95]  }
0x1a: {  	s8 =	sadd.s32 $0xFFFFE003, lr  }
0x1b: {  	s9 =	sadd.s32 $0xFFFFFEF7, lr;
	s5 =	simm.s32 $0xFFFFFFFF;
	p2 =	slt.u32 s8, $0xFFFFF086  }
0x1c: {  	p1 =	slt.u32 s9, $0xF7A;
	s5 =	simm.s32 @!p2 $0x0  }
0x1d: {  	s5 =	simm.s32 @p1 $0x1;
	p0 =	seq.s32 s7, s2  }
0x1e: {  	s7 =	smul.u32 @!p0 $0xF7A, s2;
	p2 =	seq.s32 @!p0 s5, $0x0  }
0x1f: {  	s9 =	smul.u32 $0xF7A, s1;
	s8 =	simm.s32 @!p0 $0x1BF5;
	p2 =	por !p2, p0  }
0x20: {  	[sflag:s8] =	ssyncset.s32 @!p0 $0xFFFFF086;
	s6 =	sadd.s32 @!p0 s3, s7;
	s7 =	simm.s32 @!p0 $0x108  }
0x21: {  	s3 =	sadd.s32 s3, s9;
	s6 =	sadd.s32 @!p0 $0x88, s6;
	s7 =	simm.s32 @p2 $0x1082  }
0x22: {  	[simem:s7], [sflag:s8] =	dma.local @!p0 [hbm:s6], $0xF7A  }
0x23: {  	s9 =	sor.u32 $0xD0000000, s2;
	s6 =	simm.s32 $0x108;
	_ =	swait.ge @!p0 [sflag:s8], $0x0  }
0x24: {  	s3 =	sadd.s32 $0x88, s3;
	s6 =	simm.s32 @!p1 $0x1082;
	[sflag:s4] =	ssyncset.s32 $0xFFFFF086  }
0x25: {  	[simem:s6], [sflag:s4] =	dma.local [hbm:s3], $0xF7A  }
0x26: {  	[smem:$0x3F95] =	sst s1;
	(tag) =	ssettag s2;
	_ =	strace s9  }
0x27: {  	s1 =	sld [smem:$0x3FA5]  }
0x28: {  	s2 =	sld [smem:$0x3FA6]  }
0x29: {  	s4 =	sld [smem:$0x3FA8]  }
0x2a: {  	p0 =	seq.s32 s5, $0x0;
	s5 =	sld [smem:$0x3FA9]  }
0x2b: {  	s6 =	sld [smem:$0x3FAA]  }
0x2c: {  	s7 =	sld [smem:$0x3FAB]  }
0x2d: {  	s3 =	simm.s32 $0x108;
	s8 =	sld [smem:$0x3FAC]  }
0x2e: {  	s3 =	simm.s32 @!p0 $0x1082;
	s9 =	sld [smem:$0x3FAD]  }
0x2f: {  	lr =	sadd.s32 s0, s3;
	s0 =	sld [smem:$0x3FA4]  }
0x30: {  	s3 =	sld [smem:$0x3FA7]  }
0x31: {  	[smem:$0x3FB0] =	sst s10  }
0x32: {  	s10 =	sld [smem:$0x3FAE];
	_ =	sdelay $0x3  }
0x33: {  	p0 =	seq.s32 s10, $0x1;
	s10 =	sld [smem:$0x3FB0];
	_ =	sdelay $0x3  }
0x34: {  	[smem:$0x3FB0] =	sst s10  }
0x35: {  	s10 =	sld [smem:$0x3FAF];
	_ =	sdelay $0x3  }
0x36: {  	p1 =	seq.s32 s10, $0x1;
	s10 =	sld [smem:$0x3FB0];
	_ =	sdelay $0x3  }
0x37: {  	[smem:$0x3FB0] =	sst s10  }
0x38: {  	s10 =	sld [smem:$0x3FB1]  }
0x39: {  	_ = 	snop;
	(pc) =	sbr.ind lr, $3  }
0x3a: {  	_ = 	snop  }
0x3b: {  	_ = 	snop  }
0x3c: {  	p2 =	seq.s32 s10, $0x1;
	s10 =	sld [smem:$0x3FB0]  }
0x3d: {  	_ =	shalt  }
0x3e: {  	_ =	shalt  }
0x3f: {  	_ =	shalt  }
0x40: {  	_ =	shalt  }
0x41: {  	_ =	shalt  }
0x42: {  	_ =	shalt  }
0x43: {  	_ =	shalt  }
0x44: {  	_ =	shalt  }
0x45: {  	_ =	shalt  }
0x46: {  	_ =	shalt  }
0x47: {  	_ =	shalt  }
0x48: {  	_ =	shalt  }
0x49: {  	_ =	shalt  }
0x4a: {  	_ =	shalt  }
0x4b: {  	_ =	shalt  }
0x4c: {  	_ =	shalt  }
0x4d: {  	_ =	shalt  }
0x4e: {  	_ =	shalt  }
0x4f: {  	_ =	shalt  }
0x50: {  	_ =	shalt  }
0x51: {  	_ =	shalt  }
0x52: {  	_ =	shalt  }
0x53: {  	_ =	shalt  }
0x54: {  	_ =	shalt  }
0x55: {  	_ =	shalt  }
0x56: {  	_ =	shalt  }
0x57: {  	_ =	shalt  }
0x58: {  	_ =	shalt  }
0x59: {  	_ =	shalt  }
0x5a: {  	_ =	shalt  }
0x5b: {  	_ =	shalt  }
0x5c: {  	_ =	shalt  }
0x5d: {  	_ =	shalt  }
0x5e: {  	_ =	shalt  }
0x5f: {  	_ =	shalt  }
0x60: {  	_ =	shalt  }
0x61: {  	_ =	shalt  }
0x62: {  	_ =	shalt  }
0x63: {  	_ =	shalt  }
0x64: {  	_ =	shalt  }
0x65: {  	_ =	shalt  }
0x66: {  	_ =	shalt  }
0x67: {  	_ =	shalt  }
0x68: {  	_ =	shalt  }
0x69: {  	_ =	shalt  }
0x6a: {  	_ =	shalt  }
0x6b: {  	_ =	shalt  }
0x6c: {  	_ =	shalt  }
0x6d: {  	_ =	shalt  }
0x6e: {  	_ =	shalt  }
0x6f: {  	_ =	shalt  }
0x70: {  	_ =	shalt  }
0x71: {  	_ =	shalt  }
0x72: {  	_ =	shalt  }
0x73: {  	_ =	shalt  }
0x74: {  	_ =	shalt  }
0x75: {  	_ =	shalt  }
0x76: {  	_ =	shalt  }
0x77: {  	_ =	shalt  }
0x78: {  	_ =	shalt  }
0x79: {  	_ =	shalt  }
0x7a: {  	_ =	shalt  }
0x7b: {  	_ =	shalt  }
0x7c: {  	_ =	shalt  }
0x7d: {  	_ =	shalt  }
0x7e: {  	_ =	shalt  }
0x7f: {  	_ =	shalt  }
0x80: {  	_ =	shalt  }
0x81: {  	_ =	shalt  }
0x82: {  	_ =	shalt  }
0x83: {  	_ =	shalt  }
0x84: {  	_ =	shalt  }
0x85: {  	_ =	shalt  }
0x86: {  	_ =	shalt  }
0x87: {  	_ =	shalt  }
.Lfunc_end0:
.L_simem_size_0:
called_computation.1_lowered:
.L_overlay_start_0:
0x88: {  	s2 =	sld [smem:$0x3FD9]  }
0x89: {  	s3 =	sld [smem:$0x3FFE];
	_ =	sdelay $0x1  }
0x8a: {  	s1 =	srdreg.scid  }
0x8b: {  	s0 =	sand.u32 $0x1, s1  }
0x8c: {  	s17 =	sshll.u32 s0, $0xA;
	s2 =	sadd.s32 s3, s2  }
0x8d: {  	s2 =	sadd.s32 s2, s17  }
0x8e: {  	[smem:$0x3FBC] =	sst s2  }
0x8f: {  	_ = 	snop  }
0x90: {  	s2 =	sld [smem:$0x3FD0];
	(tm) =	ssettm $0x1  }
0x91: {  	s18 =	sld [smem:$0x3FFB];
	_ =	sdelay $0x3  }
0x92: {  	_ =	strace s18  }
0x93: {  	s3 =	sld [smem:$0x3FFC];
	_ =	sdelay $0x3  }
0x94: {  	_ =	strace s3  }
0x95: {  	s3 =	sld [smem:$0x3FFD];
	_ =	sdelay $0x3  }
0x96: {  	_ =	strace s3  }
0x97: {  	_ =	strace $0x8FFFFFFF  }
0x98: {  	s19 =	sld [smem:$0x3FDB];
	_ =	sdelay $0x1  }
0x99: {  	s4 =	simm.s32 $_scs_section_size  }
0x9a: {  	s5 =	simm.s32 $_size__tile_overlayer_lowered;
	s6 =	simm.s32 $_tile_overlayer_lowered  }
0x9b: {  	s22 =	simm.s32 $0x1BFF;
	s21 =	sshll.u32 s6, $0x1;
	s3 =	sadd.s32 s4, s19  }
0x9c: {  	s7 =	simm.s32 $0x0;
	s20 =	sshll.u32 s5, $0x1;
	s5 =	sadd.s32 s21, s3  }
0x9d: {  	[timem:s7], [sflag:s22] =	dma.local [hbm:s5], s20  }
0x9e: {  	_ =	swait.ge [sflag:s22], s20  }
0x9f: {  	s4 =	ssub.s32 $0x0, s20;
	[sflag:s22] =	ssyncset.done $0x0  }
0xa0: {  	[sflag:s22] =	ssyncadd.s32 s4;
	_ =	sdelay $0x1  }
0xa1: {  	s23 =	simm.s32 $0x1B8B  }
0xa2: {  	_ =	swait.ge [sflag:s23], $0x1  }
0xa3: {  	[sflag:s23] =	ssyncset.done $0x0  }
0xa4: {  	s25 =	simm.s32 $0x1B8E;
	s24 =	sld [smem:$0x3FFE];
	[sflag:s23] =	ssyncadd.s32 $0xFFFFFFFF  }
0xa5: {  	s26 =	simm.s32 $execute0_lowered;
	[smem:$0x3FD2] =	sst s25  }
0xa6: {  	s5 =	sshll.u32 s26, $0x1;
	_ =	strace $0x80000046;
	[dreg:$0x1] =	wrdreg $0xFFFFFFFF  }
0xa7: {  	s28 =	simm.s32 $_size_execute0_lowered;
	s3 =	sadd.s32 s3, s5;
	[dreg:$0x0] =	wrdreg $0x0  }
0xa8: {  	s5 =	sshll.u32 s28, $0x1;
	[dreg:$0x2] =	wrdreg s3  }
0xa9: {  	[dreg:$0x3] =	wrdreg s5  }
0xaa: {  	[dreg:$0x4] =	wrdreg $0xC0  }
0xab: {  	_ =	task [dreg:s7], $0x5FFFF  }
0xac: {  	[dreg:$0x1] =	wrdreg $0xFFFFFFFF  }
0xad: {  	[dreg:$0x0] =	wrdreg $0x60  }
0xae: {  	[dreg:$0x2] =	wrdreg s2  }
0xaf: {  	[dreg:$0x3] =	wrdreg s24  }
0xb0: {  	[dreg:$0x4] =	wrdreg $0xB0000  }
0xb1: {  	[dreg:$0x5] =	wrdreg $0xA  }
0xb2: {  	_ =	task.clear_ibuf [dreg:s7], $0x6FFFF;
	_ =	strace $0x90000046  }
0xb3: {  	s29 =	simm.s32 $0xA;
	_ =	strace $0x80000048  }
0xb4: {  	_ =	swait.ge [sflag:s29], $0x1  }
0xb5: {  	[sflag:s29] =	ssyncadd.s32 $0xFFFFFFFF  }
0xb6: {  	_ =	strace $0x90000048  }
0xb7: {  	_ =	sfence  }
0xb8: {  	s30 =	sld [smem:$0x0];
	_ =	sdelay $0x2  }
0xb9: {  	s31 =	sshll.u32 s1, $0xD;
	s1 =	sshrl.u32 s1, $0x2  }
0xba: {  	s3 =	sand.u32 $0x4000, s31;
	s1 =	sadd.s32 s1, s30  }
0xbb: {  	s0 =	sor.u32 s3, s0;
	s1 =	sshll.u32 s1, $0x11  }
0xbc: {  	s0 =	sor.u32 s1, s0  }
0xbd: {  	s0 =	sadd.s32 $0x8F2B, s0  }
0xbe: {  	[sflag:s0] =	ssyncadd.remote.s32 $0x1  }
0xbf: {  	_ =	sfence.sel $0xFFFF  }
0xc0: {  	[dreg:$0x0] =	wrdreg $0xFFFFFFFF;
	(pc) =	sbr.abs _section_cstart, $3  }
0xc1: {  	[dreg:$0x1] =	wrdreg $0xFFFFFFFF  }
0xc2: {  	_ =	task.clear_ibuf [dreg:s7], $0x2FFFF;
	_ =	strace $0x9FFFFFFF  }
0xc3: {  	(tm) =	ssettm $0x7FFFFFFF  }
tec
execute0_lowered:
.L_overlay_start_1:
0x0: {  	(tag) =	ssettag $0x1  }
0x1: {  	s1 =	rddreg [dreg:$0x0]  }
0x2: {  	s6 =	rddreg [dreg:$0x1]  }
0x3: {  	s0 =	srdreg.scid;
	s3 =	rddreg [dreg:$0x2]  }
0x4: {  	s4 =	simm.s32 $0x0;
	s12 =	simm.s32 $0xA800;
	s13 =	simm.s32 $0x3  }
0x5: {  	s14 =	simm.s32 $0x1400;
	s15 =	simm.s32 $0x80;
	s16 =	simm.s32 $0x2800  }
0x6: {  	s17 =	simm.s32 $0x6800;
	s18 =	simm.s32 $0x1;
	s19 =	simm.s32 $0x2  }
0x7: {  	s20 =	simm.s32 $0x1380;
	s21 =	simm.s32 $0x2700;
	s5 =	sand.u32 $0x1, s0  }
0x8: {  	s22 =	simm.s32 $0x2780;
	s0 =	stileid.u32;
	s8 =	smul.u32 $0x140000, s5  }
0x9: {  	[smem:$0x7FF] =	sst s4;
	s2 =	sshll.u32 s5, $0x4;
	s9 =	smul.u32 $0x14000, s0  }
0xa: {  	s5 =	ssub.s32 $0x2, s5;
	s26 =	smul.u32 $0x50000, s0;
	s2 =	sor.u32 s0, s2  }
0xb: {  	s29 =	sshrl.u32 s5, $0x1;
	s7 =	smul.u32 $0x2800, s2;
	s2 =	rddreg [dreg:$0x3]  }
0xc: {  	_ =	strace $0x80000047;
	s8 =	sadd.s32 s9, s8;
	s30 =	ssub.s32 s5, s29  }
0xd: {  	s31 =	sshrl.u32 s26, $0x2;
	s28 =	sshrl.u32 s8, $0x3;
	s7 =	sshrl.u32 s7, $0x3  }
0xe: {  	s5 =	sadd.s32 s31, s3;
	s11 =	sadd.s32 s7, s6;
	s6 =	sadd.s32 s28, s6  }
0xf: {  	s7 =	smax.u32 s30, $0x1;
	s6 =	sadd.s32 $0x17C00, s6;
	s8 =	sadd.s32 $0x3C00, s11  }
0x10: {  	v0 =	vimm.f32 $0.0e+00;
	s9 =	sadd.s32 $0xDC00, s11;
	s10 =	sadd.s32 $0x3E80, s11;
	s11 =	sadd.s32 $0xDE80, s11  }
.LBB2_1:
0x11: {  	s23 =	simm.s32 $0x0;
	s24 =	simm.s32 $0x200  }
.LBB2_2:
0x12: {  	p0 =	sne.s32 s24, $0x1E00;
	[tilespmem:s23+$0xA870] =	vst v0  }
0x13: {  	[tilespmem:s23+$0xA800] =	vst v0  }
0x14: {  	[tilespmem:s23+$0xA810] =	vst v0  }
.Ltmp0:
0x15: {  	[tilespmem:s23+$0xA820] =	vst v0;
	(pc) =	sbr.rel @p0 .LBB2_2-.Ltmp0, $4  }
0x16: {  	[tilespmem:s23+$0xA830] =	vst v0  }
0x17: {  	[tilespmem:s23+$0xA840] =	vst v0  }
0x18: {  	[tilespmem:s23+$0xA850] =	vst v0  }
0x19: {  	[tilespmem:s23+$0xA860] =	vst v0;
	s23 =	sshra.s32 s24, $0x2;
	s24 =	sadd.s32 $0x200, s24  }
0x1a: {  	[tilespmem:s23+$0xA870] =	vst v0  }
0x1b: {  	[tilespmem:s23+$0xA800] =	vst v0  }
0x1c: {  	[tilespmem:s23+$0xA810] =	vst v0  }
0x1d: {  	[tilespmem:s23+$0xA820] =	vst v0  }
0x1e: {  	[tilespmem:s23+$0xA830] =	vst v0  }
0x1f: {  	[tilespmem:s23+$0xA840] =	vst v0  }
0x20: {  	[tilespmem:s23+$0xA850] =	vst v0  }
0x21: {  	[tilespmem:s23+$0xA860] =	vst v0;
	s31 =	sadd.s32 $0x0, s5  }
0x22: {  	[spmem:s31] =	stream.linear.scatter [tilespmem:s12], [sflag:$0x3], $0x800, $0x38;
	[tilespmem:$0x1F000] =	vst v63  }
0x23: {  	s23 =	simm.s32 $0x2000;
	_ =	swait.ge [sflag:s13], $0x800  }
.LBB2_4:
0x24: {  	s24 =	sshra.s32 s23, $0x2;
	[sflag:s13] =	ssyncset.done $0x0;
	p0 =	sne.s32 s23, $0x4E000  }
.Ltmp1:
0x25: {  	s24 =	sadd.s32 s24, s5;
	[sflag:s13] =	ssyncadd.s32 $0xFFFFF800;
	(pc) =	sbr.rel @p0 .LBB2_4-.Ltmp1, $3  }
0x26: {  	[spmem:s24] =	stream.linear.scatter [tilespmem:s12], [sflag:$0x3], $0x800, $0x38;
	[tilespmem:$0x1F000] =	vst v63  }
0x27: {  	s23 =	sadd.s32 $0x2000, s23;
	_ =	sdelay $0x1  }
0x28: {  	_ =	swait.ge [sflag:s13], $0x800  }
0x29: {  	[sflag:s13] =	ssyncset.done $0x0  }
0x2a: {  	[sflag:s13] =	ssyncadd.s32 $0xFFFFF800  }
0x2b: {  	s23 =	simm.s32 $0x0;
	[bflag:$0x0] =	sbarrier.arrive $0xFFFF  }
0x2c: {  	[tilespmem:s23], [sflag:$0x3] =	stream.linear.gather [hbm4b:s8+s23], $0x1400, $0x38;
	[tilespmem:$0x1F000] =	vst v63  }
0x2d: {  	_ =	swait.ge [sflag:s13], $0x1400  }
0x2e: {  	[sflag:s13] =	ssyncset.done $0x0  }
0x2f: {  	[sflag:s13] =	ssyncadd.s32 $0xFFFFEC00  }
0x30: {  	[tilespmem:s14], [sflag:$0x3] =	stream.linear.gather [hbm4b:s9+s23], $0x1400, $0x38;
	[tilespmem:$0x1F000] =	vst v63  }
0x31: {  	_ =	swait.ge [sflag:s13], $0x1400  }
0x32: {  	[sflag:s13] =	ssyncset.done $0x0  }
0x33: {  	[sflag:s13] =	ssyncadd.s32 $0xFFFFEC00  }
0x34: {  	[tilespmem:s16], [sflag:$0x1] =	stream.indirect.gather [hbm4b:s1+s15], $0x80, s23, s15, $0xb8;
	[tilespmem:$0x1F000] =	vst v63  }
0x35: {  	s28 =	simm.s32 $0x80  }
0x36: {  	[tilespmem:s17], [sflag:$0x2] =	stream.indirect.gather [hbm4b:s1+s15], $0x80, s28, s15, $0xb8;
	[tilespmem:$0x1F000] =	vst v63  }
0x37: {  	_ =	swait.ge [sflag:s18], $0x4000  }
0x38: {  	[sflag:s18] =	ssyncset.done $0x0  }
0x39: {  	s29 =	simm.s32 $0x1400;
	[sflag:s18] =	ssyncadd.s32 $0xFFFFC000  }
0x3a: {  	[spmem:s3] =	stream.indirect.scatter.add.f32 [tilespmem:s16], [sflag:$0x3], $0x80, s29, s15, $0xb8;
	[tilespmem:$0x1F000] =	vst v63  }
0x3b: {  	_ =	swait.ge [sflag:s13], $0x4000  }
0x3c: {  	[sflag:s13] =	ssyncset.done $0x0  }
0x3d: {  	s30 =	simm.s32 $0x100;
	[sflag:s13] =	ssyncadd.s32 $0xFFFFC000  }
0x3e: {  	[tilespmem:s16], [sflag:$0x1] =	stream.indirect.gather [hbm4b:s1+s15], $0x80, s30, s15, $0xb8;
	[tilespmem:$0x1F000] =	vst v63  }
0x3f: {  	_ =	swait.ge [sflag:s19], $0x4000  }
0x40: {  	[sflag:s19] =	ssyncset.done $0x0  }
0x41: {  	s31 =	simm.s32 $0x1480;
	[sflag:s19] =	ssyncadd.s32 $0xFFFFC000  }
0x42: {  	[spmem:s3] =	stream.indirect.scatter.add.f32 [tilespmem:s17], [sflag:$0x3], $0x80, s31, s15, $0xb8;
	[tilespmem:$0x1F000] =	vst v63  }
0x43: {  	_ =	swait.ge [sflag:s13], $0x4000  }
0x44: {  	s24 =	simm.s32 $0x800;
	s23 =	simm.s32 $0x100;
	[sflag:s13] =	ssyncset.done $0x0  }
.LBB2_6:
0x45: {  	s25 =	sadd.s32 $0x80, s23  }
0x46: {  	[sflag:s13] =	ssyncadd.s32 $0xFFFFC000;
	s26 =	smov.u32 s24;
	s28 =	sadd.s32 $0x400, s24  }
0x47: {  	[tilespmem:s17], [sflag:$0x2] =	stream.indirect.gather [hbm4b:s1+s15], $0x80, s25, s15, $0xb8;
	[tilespmem:$0x1F000] =	vst v63  }
0x48: {  	p0 =	sne.s32 s24, $0x4800;
	_ =	swait.ge [sflag:s18], $0x4000  }
0x49: {  	[sflag:s18] =	ssyncset.done $0x0  }
0x4a: {  	s24 =	sadd.s32 $0x1400, s23;
	[sflag:s18] =	ssyncadd.s32 $0xFFFFC000  }
0x4b: {  	[spmem:s3] =	stream.indirect.scatter.add.f32 [tilespmem:s16], [sflag:$0x3], $0x80, s24, s15, $0xb8;
	[tilespmem:$0x1F000] =	vst v63  }
0x4c: {  	_ =	swait.ge [sflag:s13], $0x4000  }
0x4d: {  	[sflag:s13] =	ssyncset.done $0x0  }
0x4e: {  	s24 =	sadd.s32 $0x100, s23;
	[sflag:s13] =	ssyncadd.s32 $0xFFFFC000  }
0x4f: {  	[tilespmem:s16], [sflag:$0x1] =	stream.indirect.gather [hbm4b:s1+s15], $0x80, s24, s15, $0xb8;
	[tilespmem:$0x1F000] =	vst v63  }
0x50: {  	_ =	swait.ge [sflag:s19], $0x4000  }
.Ltmp2:
0x51: {  	[sflag:s19] =	ssyncset.done $0x0;
	(pc) =	sbr.rel @p0 .LBB2_6-.Ltmp2, $4  }
0x52: {  	s23 =	sadd.s32 $0x1480, s23;
	[sflag:s19] =	ssyncadd.s32 $0xFFFFC000  }
0x53: {  	[spmem:s3] =	stream.indirect.scatter.add.f32 [tilespmem:s17], [sflag:$0x3], $0x80, s23, s15, $0xb8;
	[tilespmem:$0x1F000] =	vst v63  }
0x54: {  	_ =	swait.ge [sflag:s13], $0x4000  }
0x55: {  	s24 =	smov.u32 s28;
	s23 =	sshra.s32 s26, $0x2;
	[sflag:s13] =	ssyncset.done $0x0  }
0x56: {  	s24 =	sadd.s32 $0x80, s23;
	[sflag:s13] =	ssyncadd.s32 $0xFFFFC000  }
0x57: {  	[tilespmem:s17], [sflag:$0x2] =	stream.indirect.gather [hbm4b:s1+s15], $0x80, s24, s15, $0xb8;
	[tilespmem:$0x1F000] =	vst v63  }
0x58: {  	_ =	swait.ge [sflag:s18], $0x4000  }
0x59: {  	[sflag:s18] =	ssyncset.done $0x0  }
0x5a: {  	s30 =	sadd.s32 $0x1400, s23;
	[sflag:s18] =	ssyncadd.s32 $0xFFFFC000  }
0x5b: {  	[spmem:s3] =	stream.indirect.scatter.add.f32 [tilespmem:s16], [sflag:$0x3], $0x80, s30, s15, $0xb8;
	[tilespmem:$0x1F000] =	vst v63  }
0x5c: {  	_ =	swait.ge [sflag:s13], $0x4000  }
0x5d: {  	[sflag:s13] =	ssyncset.done $0x0  }
0x5e: {  	s31 =	sadd.s32 $0x100, s23;
	[sflag:s13] =	ssyncadd.s32 $0xFFFFC000  }
0x5f: {  	[tilespmem:s16], [sflag:$0x1] =	stream.indirect.gather [hbm4b:s1+s15], $0x80, s31, s15, $0xb8;
	[tilespmem:$0x1F000] =	vst v63  }
0x60: {  	_ =	swait.ge [sflag:s19], $0x4000  }
0x61: {  	[sflag:s19] =	ssyncset.done $0x0  }
0x62: {  	s25 =	sadd.s32 $0x1480, s23;
	[sflag:s19] =	ssyncadd.s32 $0xFFFFC000  }
0x63: {  	[spmem:s3] =	stream.indirect.scatter.add.f32 [tilespmem:s17], [sflag:$0x3], $0x80, s25, s15, $0xb8;
	[tilespmem:$0x1F000] =	vst v63  }
0x64: {  	_ =	swait.ge [sflag:s13], $0x4000  }
0x65: {  	[sflag:s13] =	ssyncset.done $0x0  }
0x66: {  	[sflag:s13] =	ssyncadd.s32 $0xFFFFC000  }
0x67: {  	[tilespmem:s17], [sflag:$0x2] =	stream.indirect.gather [hbm4b:s1+s15], $0x80, s20, s15, $0xb8;
	[tilespmem:$0x1F000] =	vst v63  }
0x68: {  	_ =	swait.ge [sflag:s18], $0x4000  }
0x69: {  	[sflag:s18] =	ssyncset.done $0x0  }
0x6a: {  	[sflag:s18] =	ssyncadd.s32 $0xFFFFC000  }
0x6b: {  	[spmem:s3] =	stream.indirect.scatter.add.f32 [tilespmem:s16], [sflag:$0x3], $0x80, s21, s15, $0xb8;
	[tilespmem:$0x1F000] =	vst v63  }
0x6c: {  	_ =	swait.ge [sflag:s13], $0x4000  }
0x6d: {  	[sflag:s13] =	ssyncset.done $0x0  }
0x6e: {  	[sflag:s13] =	ssyncadd.s32 $0xFFFFC000  }
0x6f: {  	_ =	swait.ge [sflag:s19], $0x4000  }
0x70: {  	[sflag:s19] =	ssyncset.done $0x0  }
0x71: {  	[sflag:s19] =	ssyncadd.s32 $0xFFFFC000  }
0x72: {  	[spmem:s3] =	stream.indirect.scatter.add.f32 [tilespmem:s17], [sflag:$0x3], $0x80, s22, s15, $0xb8;
	[tilespmem:$0x1F000] =	vst v63  }
0x73: {  	_ =	swait.ge [sflag:s13], $0x4000  }
0x74: {  	[sflag:s13] =	ssyncset.done $0x0  }
0x75: {  	s26 =	simm.s32 $0x0;
	[sflag:s13] =	ssyncadd.s32 $0xFFFFC000  }
0x76: {  	[tilespmem:s26], [sflag:$0x3] =	stream.linear.gather [hbm4b:s10+s26], $0x1400, $0x38;
	[tilespmem:$0x1F000] =	vst v63  }
0x77: {  	_ =	swait.ge [sflag:s13], $0x1400  }
0x78: {  	[sflag:s13] =	ssyncset.done $0x0  }
0x79: {  	[sflag:s13] =	ssyncadd.s32 $0xFFFFEC00  }
0x7a: {  	[tilespmem:s14], [sflag:$0x3] =	stream.linear.gather [hbm4b:s11+s26], $0x1400, $0x38;
	[tilespmem:$0x1F000] =	vst v63  }
0x7b: {  	_ =	swait.ge [sflag:s13], $0x1400  }
0x7c: {  	[sflag:s13] =	ssyncset.done $0x0  }
0x7d: {  	[sflag:s13] =	ssyncadd.s32 $0xFFFFEC00  }
0x7e: {  	[tilespmem:s16], [sflag:$0x1] =	stream.indirect.gather [hbm4b:s1+s15], $0x80, s26, s15, $0xb8;
	[tilespmem:$0x1F000] =	vst v63  }
0x7f: {  	s28 =	simm.s32 $0x80  }
0x80: {  	[tilespmem:s17], [sflag:$0x2] =	stream.indirect.gather [hbm4b:s1+s15], $0x80, s28, s15, $0xb8;
	[tilespmem:$0x1F000] =	vst v63  }
0x81: {  	_ =	swait.ge [sflag:s18], $0x4000  }
0x82: {  	[sflag:s18] =	ssyncset.done $0x0  }
0x83: {  	s29 =	simm.s32 $0x1400;
	[sflag:s18] =	ssyncadd.s32 $0xFFFFC000  }
0x84: {  	[spmem:s3] =	stream.indirect.scatter.add.f32 [tilespmem:s16], [sflag:$0x3], $0x80, s29, s15, $0xb8;
	[tilespmem:$0x1F000] =	vst v63  }
0x85: {  	_ =	swait.ge [sflag:s13], $0x4000  }
0x86: {  	[sflag:s13] =	ssyncset.done $0x0  }
0x87: {  	s30 =	simm.s32 $0x100;
	[sflag:s13] =	ssyncadd.s32 $0xFFFFC000  }
0x88: {  	[tilespmem:s16], [sflag:$0x1] =	stream.indirect.gather [hbm4b:s1+s15], $0x80, s30, s15, $0xb8;
	[tilespmem:$0x1F000] =	vst v63  }
0x89: {  	_ =	swait.ge [sflag:s19], $0x4000  }
0x8a: {  	[sflag:s19] =	ssyncset.done $0x0  }
0x8b: {  	s31 =	simm.s32 $0x1480;
	[sflag:s19] =	ssyncadd.s32 $0xFFFFC000  }
0x8c: {  	[spmem:s3] =	stream.indirect.scatter.add.f32 [tilespmem:s17], [sflag:$0x3], $0x80, s31, s15, $0xb8;
	[tilespmem:$0x1F000] =	vst v63  }
0x8d: {  	_ =	swait.ge [sflag:s13], $0x4000  }
0x8e: {  	s23 =	simm.s32 $0x100;
	s24 =	simm.s32 $0x800;
	[sflag:s13] =	ssyncset.done $0x0  }
.LBB2_8:
0x8f: {  	s25 =	sadd.s32 $0x80, s23  }
0x90: {  	[sflag:s13] =	ssyncadd.s32 $0xFFFFC000;
	s26 =	smov.u32 s24;
	s28 =	sadd.s32 $0x400, s24  }
0x91: {  	[tilespmem:s17], [sflag:$0x2] =	stream.indirect.gather [hbm4b:s1+s15], $0x80, s25, s15, $0xb8;
	[tilespmem:$0x1F000] =	vst v63  }
0x92: {  	p0 =	sne.s32 s24, $0x4800;
	_ =	swait.ge [sflag:s18], $0x4000  }
0x93: {  	[sflag:s18] =	ssyncset.done $0x0  }
0x94: {  	s24 =	sadd.s32 $0x1400, s23;
	[sflag:s18] =	ssyncadd.s32 $0xFFFFC000  }
0x95: {  	[spmem:s3] =	stream.indirect.scatter.add.f32 [tilespmem:s16], [sflag:$0x3], $0x80, s24, s15, $0xb8;
	[tilespmem:$0x1F000] =	vst v63  }
0x96: {  	_ =	swait.ge [sflag:s13], $0x4000  }
0x97: {  	[sflag:s13] =	ssyncset.done $0x0  }
0x98: {  	s24 =	sadd.s32 $0x100, s23;
	[sflag:s13] =	ssyncadd.s32 $0xFFFFC000  }
0x99: {  	[tilespmem:s16], [sflag:$0x1] =	stream.indirect.gather [hbm4b:s1+s15], $0x80, s24, s15, $0xb8;
	[tilespmem:$0x1F000] =	vst v63  }
0x9a: {  	_ =	swait.ge [sflag:s19], $0x4000  }
.Ltmp3:
0x9b: {  	[sflag:s19] =	ssyncset.done $0x0;
	(pc) =	sbr.rel @p0 .LBB2_8-.Ltmp3, $4  }
0x9c: {  	s23 =	sadd.s32 $0x1480, s23;
	[sflag:s19] =	ssyncadd.s32 $0xFFFFC000  }
0x9d: {  	[spmem:s3] =	stream.indirect.scatter.add.f32 [tilespmem:s17], [sflag:$0x3], $0x80, s23, s15, $0xb8;
	[tilespmem:$0x1F000] =	vst v63  }
0x9e: {  	_ =	swait.ge [sflag:s13], $0x4000  }
0x9f: {  	s24 =	smov.u32 s28;
	s23 =	sshra.s32 s26, $0x2;
	[sflag:s13] =	ssyncset.done $0x0  }
0xa0: {  	s24 =	sadd.s32 $0x80, s23;
	[sflag:s13] =	ssyncadd.s32 $0xFFFFC000  }
0xa1: {  	[tilespmem:s17], [sflag:$0x2] =	stream.indirect.gather [hbm4b:s1+s15], $0x80, s24, s15, $0xb8;
	[tilespmem:$0x1F000] =	vst v63  }
0xa2: {  	_ =	swait.ge [sflag:s18], $0x4000  }
0xa3: {  	[sflag:s18] =	ssyncset.done $0x0  }
0xa4: {  	s26 =	sadd.s32 $0x1400, s23;
	[sflag:s18] =	ssyncadd.s32 $0xFFFFC000  }
0xa5: {  	[spmem:s3] =	stream.indirect.scatter.add.f32 [tilespmem:s16], [sflag:$0x3], $0x80, s26, s15, $0xb8;
	[tilespmem:$0x1F000] =	vst v63  }
0xa6: {  	_ =	swait.ge [sflag:s13], $0x4000  }
0xa7: {  	[sflag:s13] =	ssyncset.done $0x0  }
0xa8: {  	s28 =	sadd.s32 $0x100, s23;
	[sflag:s13] =	ssyncadd.s32 $0xFFFFC000  }
0xa9: {  	[tilespmem:s16], [sflag:$0x1] =	stream.indirect.gather [hbm4b:s1+s15], $0x80, s28, s15, $0xb8;
	[tilespmem:$0x1F000] =	vst v63  }
0xaa: {  	_ =	swait.ge [sflag:s19], $0x4000  }
0xab: {  	[sflag:s19] =	ssyncset.done $0x0  }
0xac: {  	s29 =	sadd.s32 $0x1480, s23;
	[sflag:s19] =	ssyncadd.s32 $0xFFFFC000  }
0xad: {  	[spmem:s3] =	stream.indirect.scatter.add.f32 [tilespmem:s17], [sflag:$0x3], $0x80, s29, s15, $0xb8;
	[tilespmem:$0x1F000] =	vst v63  }
0xae: {  	_ =	swait.ge [sflag:s13], $0x4000  }
0xaf: {  	[sflag:s13] =	ssyncset.done $0x0  }
0xb0: {  	[sflag:s13] =	ssyncadd.s32 $0xFFFFC000  }
0xb1: {  	[tilespmem:s17], [sflag:$0x2] =	stream.indirect.gather [hbm4b:s1+s15], $0x80, s20, s15, $0xb8;
	[tilespmem:$0x1F000] =	vst v63  }
0xb2: {  	_ =	swait.ge [sflag:s18], $0x4000  }
0xb3: {  	[sflag:s18] =	ssyncset.done $0x0  }
0xb4: {  	[sflag:s18] =	ssyncadd.s32 $0xFFFFC000  }
0xb5: {  	[spmem:s3] =	stream.indirect.scatter.add.f32 [tilespmem:s16], [sflag:$0x3], $0x80, s21, s15, $0xb8;
	[tilespmem:$0x1F000] =	vst v63  }
0xb6: {  	_ =	swait.ge [sflag:s13], $0x4000  }
0xb7: {  	[sflag:s13] =	ssyncset.done $0x0  }
0xb8: {  	[sflag:s13] =	ssyncadd.s32 $0xFFFFC000  }
0xb9: {  	_ =	swait.ge [sflag:s19], $0x4000  }
0xba: {  	[sflag:s19] =	ssyncset.done $0x0  }
0xbb: {  	[sflag:s19] =	ssyncadd.s32 $0xFFFFC000  }
0xbc: {  	[spmem:s3] =	stream.indirect.scatter.add.f32 [tilespmem:s17], [sflag:$0x3], $0x80, s22, s15, $0xb8;
	[tilespmem:$0x1F000] =	vst v63  }
0xbd: {  	_ =	swait.ge [sflag:s13], $0x4000  }
0xbe: {  	s30 =	sshll.u32 s0, $0x6;
	s4 =	sadd.s32 $0x1, s4;
	[sflag:s13] =	ssyncset.done $0x0  }
0xbf: {  	s31 =	sshrl.u32 s5, $0x3;
	p0 =	sne.s32 s4, s7;
	[sflag:s13] =	ssyncadd.s32 $0xFFFFC000  }
.Ltmp4:
0xc0: {  	s23 =	sor.u32 $0x1C03, s30;
	[bflag:$0x0] =	sbarrier.arrive $0xFFFF;
	(pc) =	sbr.rel @p0 .LBB2_1-.Ltmp4, $4  }
0xc1: {  	[hbm:s6], [sflag:s23] =	dma.local [spmem:s31], $0x2800  }
0xc2: {  	_ =	swait.ge [sflag:s13], $0x2800  }
0xc3: {  	[sflag:s13] =	ssyncset.done $0x0  }
0xc4: {  	[sflag:s13] =	ssyncadd.s32 $0xFFFFD800  }
0xc5: {  	_ =	sfence.sel $0x180000  }
0xc6: {  	[bflag:$0x0] =	sbarrier.arrive $0xFFFF  }
0xc7: {  	p0 =	sne.s32 s0, $0x0;
	_ =	strace $0x90000047  }
0xc8: {  	s0 =	sadd.s32 @!p0 $0x100000, s2;
	[bflag:$0x2] =	sbarrier.arrive $0xFFFF  }
0xc9: {  	[sflag:s0] =	ssyncadd.tile.s32 @!p0 $0x1;
	_ =	shalt  }
.Lfunc_end2:
_tile_overlayer_lowered:
.L_overlay_start_2:
0xca: {  	(tag) =	ssettag $0x2  }
0xcb: {  	s0 =	rddreg [dreg:$0x0];
	s2 =	stileid.u32  }
0xcc: {  	s1 =	rddreg [dreg:$0x1];
	p0 =	sne.s32 s2, $0x0  }
0xcd: {  	s3 =	rddreg [dreg:$0x2];
	[bflag:$0x3] =	sbarrier.arrive $0xFFFF;
	s2 =	simm.s32 @!p0 $0x1C03  }
0xce: {  	[timem:s3], [sflag:s2] =	dma.local @!p0 [hbm:s0], s1  }
0xcf: {  	s0 =	simm.s32 @!p0 $0x3  }
0xd0: {  	_ =	swait.ge @!p0 [sflag:s0], s1  }
0xd1: {  	s1 =	ssub.s32 @!p0 $0x0, s1;
	[sflag:s0] =	ssyncset.done @!p0 $0x0  }
0xd2: {  	[sflag:s0] =	ssyncadd.s32 @!p0 s1  }
0xd3: {  	[bflag:$0x3] =	sbarrier.arrive $0xFFFF  }
0xd4: {  	_ =	shalt  }

// kernel: kernel.14.cloned.1.call-start
scs
__scs_entry_jumppad:
0x0: {  	(pc) =	sbr.rel $0x88, $3  }
0x1: {  	(tag) =	ssettag $0x0;
	lr =	simm.s32 $0x1  }
0x2: {  	[smem:$0x3F95] =	sst lr;
	_ =	strace $0xD0000000  }
0x3: {  	_ = 	snop  }
0x4: {  	_ = 	snop  }
0x5: {  	_ = 	snop  }
0x6: {  	_ = 	snop  }
0x7: {  	_ = 	snop  }
__scs_overlays_trampoline_lowered:
0x8: {  	[smem:$0x3FA4] =	sst s0  }
0x9: {  	[smem:$0x3FA5] =	sst s1  }
0xa: {  	[smem:$0x3FA6] =	sst s2  }
0xb: {  	[smem:$0x3FA7] =	sst s3  }
0xc: {  	[smem:$0x3FA8] =	sst s4  }
0xd: {  	[smem:$0x3FA9] =	sst s5  }
0xe: {  	[smem:$0x3FAA] =	sst s6  }
0xf: {  	[smem:$0x3FAB] =	sst s7  }
0x10: {  	[smem:$0x3FAC] =	sst s8  }
0x11: {  	[smem:$0x3FAD] =	sst s9;
	s0 =	simm.s32 @!p0 $0x0  }
0x12: {  	s1 =	sld [smem:$0x3F93];
	s0 =	simm.s32 @p0 $0x1  }
0x13: {  	[smem:$0x3FAE] =	sst s0;
	s0 =	simm.s32 @!p1 $0x0  }
0x14: {  	s2 =	sld [smem:$0x3F92];
	s0 =	simm.s32 @p1 $0x1  }
0x15: {  	[smem:$0x3FAF] =	sst s0;
	s0 =	simm.s32 @!p2 $0x0  }
0x16: {  	s3 =	sld [smem:$0x3FDB];
	s0 =	simm.s32 @p2 $0x1  }
0x17: {  	s4 =	simm.s32 $0x1BF5;
	[smem:$0x3FB1] =	sst s0  }
0x18: {  	s0 =	sld [smem:$0x3F94];
	_ =	swait.ge [sflag:s4], $0x0  }
0x19: {  	s7 =	sld [smem:$0x3F95]  }
0x1a: {  	s8 =	sadd.s32 $0xFFFFE003, lr  }
0x1b: {  	s9 =	sadd.s32 $0xFFFFFEF7, lr;
	s5 =	simm.s32 $0xFFFFFFFF;
	p2 =	slt.u32 s8, $0xFFFFF086  }
0x1c: {  	p1 =	slt.u32 s9, $0xF7A;
	s5 =	simm.s32 @!p2 $0x0  }
0x1d: {  	s5 =	simm.s32 @p1 $0x1;
	p0 =	seq.s32 s7, s2  }
0x1e: {  	s7 =	smul.u32 @!p0 $0xF7A, s2;
	p2 =	seq.s32 @!p0 s5, $0x0  }
0x1f: {  	s9 =	smul.u32 $0xF7A, s1;
	s8 =	simm.s32 @!p0 $0x1BF5;
	p2 =	por !p2, p0  }
0x20: {  	[sflag:s8] =	ssyncset.s32 @!p0 $0xFFFFF086;
	s6 =	sadd.s32 @!p0 s3, s7;
	s7 =	simm.s32 @!p0 $0x108  }
0x21: {  	s3 =	sadd.s32 s3, s9;
	s6 =	sadd.s32 @!p0 $0x88, s6;
	s7 =	simm.s32 @p2 $0x1082  }
0x22: {  	[simem:s7], [sflag:s8] =	dma.local @!p0 [hbm:s6], $0xF7A  }
0x23: {  	s9 =	sor.u32 $0xD0000000, s2;
	s6 =	simm.s32 $0x108;
	_ =	swait.ge @!p0 [sflag:s8], $0x0  }
0x24: {  	s3 =	sadd.s32 $0x88, s3;
	s6 =	simm.s32 @!p1 $0x1082;
	[sflag:s4] =	ssyncset.s32 $0xFFFFF086  }
0x25: {  	[simem:s6], [sflag:s4] =	dma.local [hbm:s3], $0xF7A  }
0x26: {  	[smem:$0x3F95] =	sst s1;
	(tag) =	ssettag s2;
	_ =	strace s9  }
0x27: {  	s1 =	sld [smem:$0x3FA5]  }
0x28: {  	s2 =	sld [smem:$0x3FA6]  }
0x29: {  	s4 =	sld [smem:$0x3FA8]  }
0x2a: {  	p0 =	seq.s32 s5, $0x0;
	s5 =	sld [smem:$0x3FA9]  }
0x2b: {  	s6 =	sld [smem:$0x3FAA]  }
0x2c: {  	s7 =	sld [smem:$0x3FAB]  }
0x2d: {  	s3 =	simm.s32 $0x108;
	s8 =	sld [smem:$0x3FAC]  }
0x2e: {  	s3 =	simm.s32 @!p0 $0x1082;
	s9 =	sld [smem:$0x3FAD]  }
0x2f: {  	lr =	sadd.s32 s0, s3;
	s0 =	sld [smem:$0x3FA4]  }
0x30: {  	s3 =	sld [smem:$0x3FA7]  }
0x31: {  	[smem:$0x3FB0] =	sst s10  }
0x32: {  	s10 =	sld [smem:$0x3FAE];
	_ =	sdelay $0x3  }
0x33: {  	p0 =	seq.s32 s10, $0x1;
	s10 =	sld [smem:$0x3FB0];
	_ =	sdelay $0x3  }
0x34: {  	[smem:$0x3FB0] =	sst s10  }
0x35: {  	s10 =	sld [smem:$0x3FAF];
	_ =	sdelay $0x3  }
0x36: {  	p1 =	seq.s32 s10, $0x1;
	s10 =	sld [smem:$0x3FB0];
	_ =	sdelay $0x3  }
0x37: {  	[smem:$0x3FB0] =	sst s10  }
0x38: {  	s10 =	sld [smem:$0x3FB1]  }
0x39: {  	_ = 	snop;
	(pc) =	sbr.ind lr, $3  }
0x3a: {  	_ = 	snop  }
0x3b: {  	_ = 	snop  }
0x3c: {  	p2 =	seq.s32 s10, $0x1;
	s10 =	sld [smem:$0x3FB0]  }
0x3d: {  	_ =	shalt  }
0x3e: {  	_ =	shalt  }
0x3f: {  	_ =	shalt  }
0x40: {  	_ =	shalt  }
0x41: {  	_ =	shalt  }
0x42: {  	_ =	shalt  }
0x43: {  	_ =	shalt  }
0x44: {  	_ =	shalt  }
0x45: {  	_ =	shalt  }
0x46: {  	_ =	shalt  }
0x47: {  	_ =	shalt  }
0x48: {  	_ =	shalt  }
0x49: {  	_ =	shalt  }
0x4a: {  	_ =	shalt  }
0x4b: {  	_ =	shalt  }
0x4c: {  	_ =	shalt  }
0x4d: {  	_ =	shalt  }
0x4e: {  	_ =	shalt  }
0x4f: {  	_ =	shalt  }
0x50: {  	_ =	shalt  }
0x51: {  	_ =	shalt  }
0x52: {  	_ =	shalt  }
0x53: {  	_ =	shalt  }
0x54: {  	_ =	shalt  }
0x55: {  	_ =	shalt  }
0x56: {  	_ =	shalt  }
0x57: {  	_ =	shalt  }
0x58: {  	_ =	shalt  }
0x59: {  	_ =	shalt  }
0x5a: {  	_ =	shalt  }
0x5b: {  	_ =	shalt  }
0x5c: {  	_ =	shalt  }
0x5d: {  	_ =	shalt  }
0x5e: {  	_ =	shalt  }
0x5f: {  	_ =	shalt  }
0x60: {  	_ =	shalt  }
0x61: {  	_ =	shalt  }
0x62: {  	_ =	shalt  }
0x63: {  	_ =	shalt  }
0x64: {  	_ =	shalt  }
0x65: {  	_ =	shalt  }
0x66: {  	_ =	shalt  }
0x67: {  	_ =	shalt  }
0x68: {  	_ =	shalt  }
0x69: {  	_ =	shalt  }
0x6a: {  	_ =	shalt  }
0x6b: {  	_ =	shalt  }
0x6c: {  	_ =	shalt  }
0x6d: {  	_ =	shalt  }
0x6e: {  	_ =	shalt  }
0x6f: {  	_ =	shalt  }
0x70: {  	_ =	shalt  }
0x71: {  	_ =	shalt  }
0x72: {  	_ =	shalt  }
0x73: {  	_ =	shalt  }
0x74: {  	_ =	shalt  }
0x75: {  	_ =	shalt  }
0x76: {  	_ =	shalt  }
0x77: {  	_ =	shalt  }
0x78: {  	_ =	shalt  }
0x79: {  	_ =	shalt  }
0x7a: {  	_ =	shalt  }
0x7b: {  	_ =	shalt  }
0x7c: {  	_ =	shalt  }
0x7d: {  	_ =	shalt  }
0x7e: {  	_ =	shalt  }
0x7f: {  	_ =	shalt  }
0x80: {  	_ =	shalt  }
0x81: {  	_ =	shalt  }
0x82: {  	_ =	shalt  }
0x83: {  	_ =	shalt  }
0x84: {  	_ =	shalt  }
0x85: {  	_ =	shalt  }
0x86: {  	_ =	shalt  }
0x87: {  	_ =	shalt  }
.Lfunc_end0:
.L_simem_size_0:
called_computation.2_lowered:
.L_overlay_start_0:
0x88: {  	s2 =	sld [smem:$0x3FD9]  }
0x89: {  	s3 =	sld [smem:$0x3FFE];
	_ =	sdelay $0x1  }
0x8a: {  	s1 =	srdreg.scid  }
0x8b: {  	s0 =	sand.u32 $0x1, s1  }
0x8c: {  	s17 =	sshll.u32 s0, $0xA;
	s2 =	sadd.s32 s3, s2  }
0x8d: {  	s2 =	sadd.s32 s2, s17  }
0x8e: {  	[smem:$0x3FBC] =	sst s2  }
0x8f: {  	_ = 	snop  }
0x90: {  	s2 =	sld [smem:$0x3FD0];
	(tm) =	ssettm $0x1  }
0x91: {  	s18 =	sld [smem:$0x3FFB];
	_ =	sdelay $0x3  }
0x92: {  	_ =	strace s18  }
0x93: {  	s3 =	sld [smem:$0x3FFC];
	_ =	sdelay $0x3  }
0x94: {  	_ =	strace s3  }
0x95: {  	s3 =	sld [smem:$0x3FFD];
	_ =	sdelay $0x3  }
0x96: {  	_ =	strace s3  }
0x97: {  	_ =	strace $0x8FFFFFFF  }
0x98: {  	s19 =	sld [smem:$0x3FDB];
	_ =	sdelay $0x1  }
0x99: {  	s4 =	simm.s32 $_scs_section_size  }
0x9a: {  	s5 =	simm.s32 $_size__tile_overlayer_lowered;
	s6 =	simm.s32 $_tile_overlayer_lowered  }
0x9b: {  	s22 =	simm.s32 $0x1BFF;
	s21 =	sshll.u32 s6, $0x1;
	s3 =	sadd.s32 s4, s19  }
0x9c: {  	s7 =	simm.s32 $0x0;
	s20 =	sshll.u32 s5, $0x1;
	s5 =	sadd.s32 s21, s3  }
0x9d: {  	[timem:s7], [sflag:s22] =	dma.local [hbm:s5], s20  }
0x9e: {  	_ =	swait.ge [sflag:s22], s20  }
0x9f: {  	s4 =	ssub.s32 $0x0, s20;
	[sflag:s22] =	ssyncset.done $0x0  }
0xa0: {  	[sflag:s22] =	ssyncadd.s32 s4;
	_ =	sdelay $0x1  }
0xa1: {  	s23 =	simm.s32 $0x1B8B  }
0xa2: {  	_ =	swait.ge [sflag:s23], $0x1  }
0xa3: {  	[sflag:s23] =	ssyncset.done $0x0  }
0xa4: {  	s25 =	simm.s32 $0x1B8E;
	s24 =	sld [smem:$0x3FFE];
	[sflag:s23] =	ssyncadd.s32 $0xFFFFFFFF  }
0xa5: {  	s26 =	simm.s32 $execute0_lowered;
	[smem:$0x3FD2] =	sst s25  }
0xa6: {  	s5 =	sshll.u32 s26, $0x1;
	_ =	strace $0x8000004C;
	[dreg:$0x1] =	wrdreg $0xFFFFFFFF  }
0xa7: {  	s28 =	simm.s32 $_size_execute0_lowered;
	s3 =	sadd.s32 s3, s5;
	[dreg:$0x0] =	wrdreg $0x0  }
0xa8: {  	s5 =	sshll.u32 s28, $0x1;
	[dreg:$0x2] =	wrdreg s3  }
0xa9: {  	[dreg:$0x3] =	wrdreg s5  }
0xaa: {  	[dreg:$0x4] =	wrdreg $0xC0  }
0xab: {  	_ =	task [dreg:s7], $0x5FFFF  }
0xac: {  	[dreg:$0x1] =	wrdreg $0xFFFFFFFF  }
0xad: {  	[dreg:$0x0] =	wrdreg $0x60  }
0xae: {  	[dreg:$0x2] =	wrdreg s2  }
0xaf: {  	[dreg:$0x3] =	wrdreg s24  }
0xb0: {  	[dreg:$0x4] =	wrdreg $0xB0000  }
0xb1: {  	[dreg:$0x5] =	wrdreg $0x9  }
0xb2: {  	_ =	task.clear_ibuf [dreg:s7], $0x6FFFF;
	_ =	strace $0x9000004C  }
0xb3: {  	s29 =	simm.s32 $0x9;
	_ =	strace $0x8000004E  }
0xb4: {  	_ =	swait.ge [sflag:s29], $0x1  }
0xb5: {  	[sflag:s29] =	ssyncadd.s32 $0xFFFFFFFF  }
0xb6: {  	_ =	strace $0x9000004E  }
0xb7: {  	_ =	sfence  }
0xb8: {  	s30 =	sld [smem:$0x0];
	_ =	sdelay $0x2  }
0xb9: {  	s31 =	sshll.u32 s1, $0xD;
	s1 =	sshrl.u32 s1, $0x2  }
0xba: {  	s3 =	sand.u32 $0x4000, s31;
	s1 =	sadd.s32 s1, s30  }
0xbb: {  	s0 =	sor.u32 s3, s0;
	s1 =	sshll.u32 s1, $0x11  }
0xbc: {  	s0 =	sor.u32 s1, s0  }
0xbd: {  	s0 =	sadd.s32 $0x8F2B, s0  }
0xbe: {  	[sflag:s0] =	ssyncadd.remote.s32 $0x1  }
0xbf: {  	_ =	sfence.sel $0xFFFF  }
0xc0: {  	[dreg:$0x0] =	wrdreg $0xFFFFFFFF;
	(pc) =	sbr.abs _section_cstart, $3  }
0xc1: {  	[dreg:$0x1] =	wrdreg $0xFFFFFFFF  }
0xc2: {  	_ =	task.clear_ibuf [dreg:s7], $0x2FFFF;
	_ =	strace $0x9FFFFFFF  }
0xc3: {  	(tm) =	ssettm $0x7FFFFFFF  }
tec
execute0_lowered:
.L_overlay_start_1:
0x0: {  	(tag) =	ssettag $0x1  }
0x1: {  	s1 =	rddreg [dreg:$0x0]  }
0x2: {  	s6 =	rddreg [dreg:$0x1]  }
0x3: {  	s0 =	srdreg.scid;
	s3 =	rddreg [dreg:$0x2]  }
0x4: {  	s4 =	simm.s32 $0x0;
	s12 =	simm.s32 $0xA800;
	s13 =	simm.s32 $0x3  }
0x5: {  	s14 =	simm.s32 $0x1400;
	s15 =	simm.s32 $0x80;
	s16 =	simm.s32 $0x2800  }
0x6: {  	s17 =	simm.s32 $0x6800;
	s18 =	simm.s32 $0x1;
	s19 =	simm.s32 $0x2  }
0x7: {  	s20 =	simm.s32 $0x1380;
	s21 =	simm.s32 $0x2700;
	s5 =	sand.u32 $0x1, s0  }
0x8: {  	s22 =	simm.s32 $0x2780;
	s0 =	stileid.u32;
	s8 =	smul.u32 $0x140000, s5  }
0x9: {  	[smem:$0x7FF] =	sst s4;
	s2 =	sshll.u32 s5, $0x4;
	s9 =	smul.u32 $0x14000, s0  }
0xa: {  	s5 =	ssub.s32 $0x2, s5;
	s26 =	smul.u32 $0x50000, s0;
	s2 =	sor.u32 s0, s2  }
0xb: {  	s29 =	sshrl.u32 s5, $0x1;
	s7 =	smul.u32 $0x2800, s2;
	s2 =	rddreg [dreg:$0x3]  }
0xc: {  	_ =	strace $0x8000004D;
	s8 =	sadd.s32 s9, s8;
	s30 =	ssub.s32 s5, s29  }
0xd: {  	s31 =	sshrl.u32 s26, $0x2;
	s28 =	sshrl.u32 s8, $0x3;
	s7 =	sshrl.u32 s7, $0x3  }
0xe: {  	s5 =	sadd.s32 s31, s3;
	s11 =	sadd.s32 s7, s6;
	s6 =	sadd.s32 s28, s6  }
0xf: {  	s7 =	smax.u32 s30, $0x1;
	s6 =	sadd.s32 $0x17C00, s6;
	s8 =	sadd.s32 $0x3C00, s11  }
0x10: {  	v0 =	vimm.f32 $0.0e+00;
	s9 =	sadd.s32 $0xDC00, s11;
	s10 =	sadd.s32 $0x3E80, s11;
	s11 =	sadd.s32 $0xDE80, s11  }
.LBB2_1:
0x11: {  	s23 =	simm.s32 $0x0;
	s24 =	simm.s32 $0x200  }
.LBB2_2:
0x12: {  	p0 =	sne.s32 s24, $0x1E00;
	[tilespmem:s23+$0xA870] =	vst v0  }
0x13: {  	[tilespmem:s23+$0xA800] =	vst v0  }
0x14: {  	[tilespmem:s23+$0xA810] =	vst v0  }
.Ltmp0:
0x15: {  	[tilespmem:s23+$0xA820] =	vst v0;
	(pc) =	sbr.rel @p0 .LBB2_2-.Ltmp0, $4  }
0x16: {  	[tilespmem:s23+$0xA830] =	vst v0  }
0x17: {  	[tilespmem:s23+$0xA840] =	vst v0  }
0x18: {  	[tilespmem:s23+$0xA850] =	vst v0  }
0x19: {  	[tilespmem:s23+$0xA860] =	vst v0;
	s23 =	sshra.s32 s24, $0x2;
	s24 =	sadd.s32 $0x200, s24  }
0x1a: {  	[tilespmem:s23+$0xA870] =	vst v0  }
0x1b: {  	[tilespmem:s23+$0xA800] =	vst v0  }
0x1c: {  	[tilespmem:s23+$0xA810] =	vst v0  }
0x1d: {  	[tilespmem:s23+$0xA820] =	vst v0  }
0x1e: {  	[tilespmem:s23+$0xA830] =	vst v0  }
0x1f: {  	[tilespmem:s23+$0xA840] =	vst v0  }
0x20: {  	[tilespmem:s23+$0xA850] =	vst v0  }
0x21: {  	[tilespmem:s23+$0xA860] =	vst v0;
	s31 =	sadd.s32 $0x0, s5  }
0x22: {  	[spmem:s31] =	stream.linear.scatter [tilespmem:s12], [sflag:$0x3], $0x800, $0x38;
	[tilespmem:$0x1F000] =	vst v63  }
0x23: {  	s23 =	simm.s32 $0x2000;
	_ =	swait.ge [sflag:s13], $0x800  }
.LBB2_4:
0x24: {  	s24 =	sshra.s32 s23, $0x2;
	[sflag:s13] =	ssyncset.done $0x0;
	p0 =	sne.s32 s23, $0x4E000  }
.Ltmp1:
0x25: {  	s24 =	sadd.s32 s24, s5;
	[sflag:s13] =	ssyncadd.s32 $0xFFFFF800;
	(pc) =	sbr.rel @p0 .LBB2_4-.Ltmp1, $3  }
0x26: {  	[spmem:s24] =	stream.linear.scatter [tilespmem:s12], [sflag:$0x3], $0x800, $0x38;
	[tilespmem:$0x1F000] =	vst v63  }
0x27: {  	s23 =	sadd.s32 $0x2000, s23;
	_ =	sdelay $0x1  }
0x28: {  	_ =	swait.ge [sflag:s13], $0x800  }
0x29: {  	[sflag:s13] =	ssyncset.done $0x0  }
0x2a: {  	[sflag:s13] =	ssyncadd.s32 $0xFFFFF800  }
0x2b: {  	s23 =	simm.s32 $0x0;
	[bflag:$0x0] =	sbarrier.arrive $0xFFFF  }
0x2c: {  	[tilespmem:s23], [sflag:$0x3] =	stream.linear.gather [hbm4b:s8+s23], $0x1400, $0x38;
	[tilespmem:$0x1F000] =	vst v63  }
0x2d: {  	_ =	swait.ge [sflag:s13], $0x1400  }
0x2e: {  	[sflag:s13] =	ssyncset.done $0x0  }
0x2f: {  	[sflag:s13] =	ssyncadd.s32 $0xFFFFEC00  }
0x30: {  	[tilespmem:s14], [sflag:$0x3] =	stream.linear.gather [hbm4b:s9+s23], $0x1400, $0x38;
	[tilespmem:$0x1F000] =	vst v63  }
0x31: {  	_ =	swait.ge [sflag:s13], $0x1400  }
0x32: {  	[sflag:s13] =	ssyncset.done $0x0  }
0x33: {  	[sflag:s13] =	ssyncadd.s32 $0xFFFFEC00  }
0x34: {  	[tilespmem:s16], [sflag:$0x1] =	stream.indirect.gather [hbm4b:s1+s15], $0x80, s23, s15, $0xb8;
	[tilespmem:$0x1F000] =	vst v63  }
0x35: {  	s28 =	simm.s32 $0x80  }
0x36: {  	[tilespmem:s17], [sflag:$0x2] =	stream.indirect.gather [hbm4b:s1+s15], $0x80, s28, s15, $0xb8;
	[tilespmem:$0x1F000] =	vst v63  }
0x37: {  	_ =	swait.ge [sflag:s18], $0x4000  }
0x38: {  	[sflag:s18] =	ssyncset.done $0x0  }
0x39: {  	s29 =	simm.s32 $0x1400;
	[sflag:s18] =	ssyncadd.s32 $0xFFFFC000  }
0x3a: {  	[spmem:s3] =	stream.indirect.scatter.add.f32 [tilespmem:s16], [sflag:$0x3], $0x80, s29, s15, $0xb8;
	[tilespmem:$0x1F000] =	vst v63  }
0x3b: {  	_ =	swait.ge [sflag:s13], $0x4000  }
0x3c: {  	[sflag:s13] =	ssyncset.done $0x0  }
0x3d: {  	s30 =	simm.s32 $0x100;
	[sflag:s13] =	ssyncadd.s32 $0xFFFFC000  }
0x3e: {  	[tilespmem:s16], [sflag:$0x1] =	stream.indirect.gather [hbm4b:s1+s15], $0x80, s30, s15, $0xb8;
	[tilespmem:$0x1F000] =	vst v63  }
0x3f: {  	_ =	swait.ge [sflag:s19], $0x4000  }
0x40: {  	[sflag:s19] =	ssyncset.done $0x0  }
0x41: {  	s31 =	simm.s32 $0x1480;
	[sflag:s19] =	ssyncadd.s32 $0xFFFFC000  }
0x42: {  	[spmem:s3] =	stream.indirect.scatter.add.f32 [tilespmem:s17], [sflag:$0x3], $0x80, s31, s15, $0xb8;
	[tilespmem:$0x1F000] =	vst v63  }
0x43: {  	_ =	swait.ge [sflag:s13], $0x4000  }
0x44: {  	s24 =	simm.s32 $0x800;
	s23 =	simm.s32 $0x100;
	[sflag:s13] =	ssyncset.done $0x0  }
.LBB2_6:
0x45: {  	s25 =	sadd.s32 $0x80, s23  }
0x46: {  	[sflag:s13] =	ssyncadd.s32 $0xFFFFC000;
	s26 =	smov.u32 s24;
	s28 =	sadd.s32 $0x400, s24  }
0x47: {  	[tilespmem:s17], [sflag:$0x2] =	stream.indirect.gather [hbm4b:s1+s15], $0x80, s25, s15, $0xb8;
	[tilespmem:$0x1F000] =	vst v63  }
0x48: {  	p0 =	sne.s32 s24, $0x4800;
	_ =	swait.ge [sflag:s18], $0x4000  }
0x49: {  	[sflag:s18] =	ssyncset.done $0x0  }
0x4a: {  	s24 =	sadd.s32 $0x1400, s23;
	[sflag:s18] =	ssyncadd.s32 $0xFFFFC000  }
0x4b: {  	[spmem:s3] =	stream.indirect.scatter.add.f32 [tilespmem:s16], [sflag:$0x3], $0x80, s24, s15, $0xb8;
	[tilespmem:$0x1F000] =	vst v63  }
0x4c: {  	_ =	swait.ge [sflag:s13], $0x4000  }
0x4d: {  	[sflag:s13] =	ssyncset.done $0x0  }
0x4e: {  	s24 =	sadd.s32 $0x100, s23;
	[sflag:s13] =	ssyncadd.s32 $0xFFFFC000  }
0x4f: {  	[tilespmem:s16], [sflag:$0x1] =	stream.indirect.gather [hbm4b:s1+s15], $0x80, s24, s15, $0xb8;
	[tilespmem:$0x1F000] =	vst v63  }
0x50: {  	_ =	swait.ge [sflag:s19], $0x4000  }
.Ltmp2:
0x51: {  	[sflag:s19] =	ssyncset.done $0x0;
	(pc) =	sbr.rel @p0 .LBB2_6-.Ltmp2, $4  }
0x52: {  	s23 =	sadd.s32 $0x1480, s23;
	[sflag:s19] =	ssyncadd.s32 $0xFFFFC000  }
0x53: {  	[spmem:s3] =	stream.indirect.scatter.add.f32 [tilespmem:s17], [sflag:$0x3], $0x80, s23, s15, $0xb8;
	[tilespmem:$0x1F000] =	vst v63  }
0x54: {  	_ =	swait.ge [sflag:s13], $0x4000  }
0x55: {  	s24 =	smov.u32 s28;
	s23 =	sshra.s32 s26, $0x2;
	[sflag:s13] =	ssyncset.done $0x0  }
0x56: {  	s24 =	sadd.s32 $0x80, s23;
	[sflag:s13] =	ssyncadd.s32 $0xFFFFC000  }
0x57: {  	[tilespmem:s17], [sflag:$0x2] =	stream.indirect.gather [hbm4b:s1+s15], $0x80, s24, s15, $0xb8;
	[tilespmem:$0x1F000] =	vst v63  }
0x58: {  	_ =	swait.ge [sflag:s18], $0x4000  }
0x59: {  	[sflag:s18] =	ssyncset.done $0x0  }
0x5a: {  	s30 =	sadd.s32 $0x1400, s23;
	[sflag:s18] =	ssyncadd.s32 $0xFFFFC000  }
0x5b: {  	[spmem:s3] =	stream.indirect.scatter.add.f32 [tilespmem:s16], [sflag:$0x3], $0x80, s30, s15, $0xb8;
	[tilespmem:$0x1F000] =	vst v63  }
0x5c: {  	_ =	swait.ge [sflag:s13], $0x4000  }
0x5d: {  	[sflag:s13] =	ssyncset.done $0x0  }
0x5e: {  	s31 =	sadd.s32 $0x100, s23;
	[sflag:s13] =	ssyncadd.s32 $0xFFFFC000  }
0x5f: {  	[tilespmem:s16], [sflag:$0x1] =	stream.indirect.gather [hbm4b:s1+s15], $0x80, s31, s15, $0xb8;
	[tilespmem:$0x1F000] =	vst v63  }
0x60: {  	_ =	swait.ge [sflag:s19], $0x4000  }
0x61: {  	[sflag:s19] =	ssyncset.done $0x0  }
0x62: {  	s25 =	sadd.s32 $0x1480, s23;
	[sflag:s19] =	ssyncadd.s32 $0xFFFFC000  }
0x63: {  	[spmem:s3] =	stream.indirect.scatter.add.f32 [tilespmem:s17], [sflag:$0x3], $0x80, s25, s15, $0xb8;
	[tilespmem:$0x1F000] =	vst v63  }
0x64: {  	_ =	swait.ge [sflag:s13], $0x4000  }
0x65: {  	[sflag:s13] =	ssyncset.done $0x0  }
0x66: {  	[sflag:s13] =	ssyncadd.s32 $0xFFFFC000  }
0x67: {  	[tilespmem:s17], [sflag:$0x2] =	stream.indirect.gather [hbm4b:s1+s15], $0x80, s20, s15, $0xb8;
	[tilespmem:$0x1F000] =	vst v63  }
0x68: {  	_ =	swait.ge [sflag:s18], $0x4000  }
0x69: {  	[sflag:s18] =	ssyncset.done $0x0  }
0x6a: {  	[sflag:s18] =	ssyncadd.s32 $0xFFFFC000  }
0x6b: {  	[spmem:s3] =	stream.indirect.scatter.add.f32 [tilespmem:s16], [sflag:$0x3], $0x80, s21, s15, $0xb8;
	[tilespmem:$0x1F000] =	vst v63  }
0x6c: {  	_ =	swait.ge [sflag:s13], $0x4000  }
0x6d: {  	[sflag:s13] =	ssyncset.done $0x0  }
0x6e: {  	[sflag:s13] =	ssyncadd.s32 $0xFFFFC000  }
0x6f: {  	_ =	swait.ge [sflag:s19], $0x4000  }
0x70: {  	[sflag:s19] =	ssyncset.done $0x0  }
0x71: {  	[sflag:s19] =	ssyncadd.s32 $0xFFFFC000  }
0x72: {  	[spmem:s3] =	stream.indirect.scatter.add.f32 [tilespmem:s17], [sflag:$0x3], $0x80, s22, s15, $0xb8;
	[tilespmem:$0x1F000] =	vst v63  }
0x73: {  	_ =	swait.ge [sflag:s13], $0x4000  }
0x74: {  	[sflag:s13] =	ssyncset.done $0x0  }
0x75: {  	s26 =	simm.s32 $0x0;
	[sflag:s13] =	ssyncadd.s32 $0xFFFFC000  }
0x76: {  	[tilespmem:s26], [sflag:$0x3] =	stream.linear.gather [hbm4b:s10+s26], $0x1400, $0x38;
	[tilespmem:$0x1F000] =	vst v63  }
0x77: {  	_ =	swait.ge [sflag:s13], $0x1400  }
0x78: {  	[sflag:s13] =	ssyncset.done $0x0  }
0x79: {  	[sflag:s13] =	ssyncadd.s32 $0xFFFFEC00  }
0x7a: {  	[tilespmem:s14], [sflag:$0x3] =	stream.linear.gather [hbm4b:s11+s26], $0x1400, $0x38;
	[tilespmem:$0x1F000] =	vst v63  }
0x7b: {  	_ =	swait.ge [sflag:s13], $0x1400  }
0x7c: {  	[sflag:s13] =	ssyncset.done $0x0  }
0x7d: {  	[sflag:s13] =	ssyncadd.s32 $0xFFFFEC00  }
0x7e: {  	[tilespmem:s16], [sflag:$0x1] =	stream.indirect.gather [hbm4b:s1+s15], $0x80, s26, s15, $0xb8;
	[tilespmem:$0x1F000] =	vst v63  }
0x7f: {  	s28 =	simm.s32 $0x80  }
0x80: {  	[tilespmem:s17], [sflag:$0x2] =	stream.indirect.gather [hbm4b:s1+s15], $0x80, s28, s15, $0xb8;
	[tilespmem:$0x1F000] =	vst v63  }
0x81: {  	_ =	swait.ge [sflag:s18], $0x4000  }
0x82: {  	[sflag:s18] =	ssyncset.done $0x0  }
0x83: {  	s29 =	simm.s32 $0x1400;
	[sflag:s18] =	ssyncadd.s32 $0xFFFFC000  }
0x84: {  	[spmem:s3] =	stream.indirect.scatter.add.f32 [tilespmem:s16], [sflag:$0x3], $0x80, s29, s15, $0xb8;
	[tilespmem:$0x1F000] =	vst v63  }
0x85: {  	_ =	swait.ge [sflag:s13], $0x4000  }
0x86: {  	[sflag:s13] =	ssyncset.done $0x0  }
0x87: {  	s30 =	simm.s32 $0x100;
	[sflag:s13] =	ssyncadd.s32 $0xFFFFC000  }
0x88: {  	[tilespmem:s16], [sflag:$0x1] =	stream.indirect.gather [hbm4b:s1+s15], $0x80, s30, s15, $0xb8;
	[tilespmem:$0x1F000] =	vst v63  }
0x89: {  	_ =	swait.ge [sflag:s19], $0x4000  }
0x8a: {  	[sflag:s19] =	ssyncset.done $0x0  }
0x8b: {  	s31 =	simm.s32 $0x1480;
	[sflag:s19] =	ssyncadd.s32 $0xFFFFC000  }
0x8c: {  	[spmem:s3] =	stream.indirect.scatter.add.f32 [tilespmem:s17], [sflag:$0x3], $0x80, s31, s15, $0xb8;
	[tilespmem:$0x1F000] =	vst v63  }
0x8d: {  	_ =	swait.ge [sflag:s13], $0x4000  }
0x8e: {  	s23 =	simm.s32 $0x100;
	s24 =	simm.s32 $0x800;
	[sflag:s13] =	ssyncset.done $0x0  }
.LBB2_8:
0x8f: {  	s25 =	sadd.s32 $0x80, s23  }
0x90: {  	[sflag:s13] =	ssyncadd.s32 $0xFFFFC000;
	s26 =	smov.u32 s24;
	s28 =	sadd.s32 $0x400, s24  }
0x91: {  	[tilespmem:s17], [sflag:$0x2] =	stream.indirect.gather [hbm4b:s1+s15], $0x80, s25, s15, $0xb8;
	[tilespmem:$0x1F000] =	vst v63  }
0x92: {  	p0 =	sne.s32 s24, $0x4800;
	_ =	swait.ge [sflag:s18], $0x4000  }
0x93: {  	[sflag:s18] =	ssyncset.done $0x0  }
0x94: {  	s24 =	sadd.s32 $0x1400, s23;
	[sflag:s18] =	ssyncadd.s32 $0xFFFFC000  }
0x95: {  	[spmem:s3] =	stream.indirect.scatter.add.f32 [tilespmem:s16], [sflag:$0x3], $0x80, s24, s15, $0xb8;
	[tilespmem:$0x1F000] =	vst v63  }
0x96: {  	_ =	swait.ge [sflag:s13], $0x4000  }
0x97: {  	[sflag:s13] =	ssyncset.done $0x0  }
0x98: {  	s24 =	sadd.s32 $0x100, s23;
	[sflag:s13] =	ssyncadd.s32 $0xFFFFC000  }
0x99: {  	[tilespmem:s16], [sflag:$0x1] =	stream.indirect.gather [hbm4b:s1+s15], $0x80, s24, s15, $0xb8;
	[tilespmem:$0x1F000] =	vst v63  }
0x9a: {  	_ =	swait.ge [sflag:s19], $0x4000  }
.Ltmp3:
0x9b: {  	[sflag:s19] =	ssyncset.done $0x0;
	(pc) =	sbr.rel @p0 .LBB2_8-.Ltmp3, $4  }
0x9c: {  	s23 =	sadd.s32 $0x1480, s23;
	[sflag:s19] =	ssyncadd.s32 $0xFFFFC000  }
0x9d: {  	[spmem:s3] =	stream.indirect.scatter.add.f32 [tilespmem:s17], [sflag:$0x3], $0x80, s23, s15, $0xb8;
	[tilespmem:$0x1F000] =	vst v63  }
0x9e: {  	_ =	swait.ge [sflag:s13], $0x4000  }
0x9f: {  	s24 =	smov.u32 s28;
	s23 =	sshra.s32 s26, $0x2;
	[sflag:s13] =	ssyncset.done $0x0  }
0xa0: {  	s24 =	sadd.s32 $0x80, s23;
	[sflag:s13] =	ssyncadd.s32 $0xFFFFC000  }
0xa1: {  	[tilespmem:s17], [sflag:$0x2] =	stream.indirect.gather [hbm4b:s1+s15], $0x80, s24, s15, $0xb8;
	[tilespmem:$0x1F000] =	vst v63  }
0xa2: {  	_ =	swait.ge [sflag:s18], $0x4000  }
0xa3: {  	[sflag:s18] =	ssyncset.done $0x0  }
0xa4: {  	s26 =	sadd.s32 $0x1400, s23;
	[sflag:s18] =	ssyncadd.s32 $0xFFFFC000  }
0xa5: {  	[spmem:s3] =	stream.indirect.scatter.add.f32 [tilespmem:s16], [sflag:$0x3], $0x80, s26, s15, $0xb8;
	[tilespmem:$0x1F000] =	vst v63  }
0xa6: {  	_ =	swait.ge [sflag:s13], $0x4000  }
0xa7: {  	[sflag:s13] =	ssyncset.done $0x0  }
0xa8: {  	s28 =	sadd.s32 $0x100, s23;
	[sflag:s13] =	ssyncadd.s32 $0xFFFFC000  }
0xa9: {  	[tilespmem:s16], [sflag:$0x1] =	stream.indirect.gather [hbm4b:s1+s15], $0x80, s28, s15, $0xb8;
	[tilespmem:$0x1F000] =	vst v63  }
0xaa: {  	_ =	swait.ge [sflag:s19], $0x4000  }
0xab: {  	[sflag:s19] =	ssyncset.done $0x0  }
0xac: {  	s29 =	sadd.s32 $0x1480, s23;
	[sflag:s19] =	ssyncadd.s32 $0xFFFFC000  }
0xad: {  	[spmem:s3] =	stream.indirect.scatter.add.f32 [tilespmem:s17], [sflag:$0x3], $0x80, s29, s15, $0xb8;
	[tilespmem:$0x1F000] =	vst v63  }
0xae: {  	_ =	swait.ge [sflag:s13], $0x4000  }
0xaf: {  	[sflag:s13] =	ssyncset.done $0x0  }
0xb0: {  	[sflag:s13] =	ssyncadd.s32 $0xFFFFC000  }
0xb1: {  	[tilespmem:s17], [sflag:$0x2] =	stream.indirect.gather [hbm4b:s1+s15], $0x80, s20, s15, $0xb8;
	[tilespmem:$0x1F000] =	vst v63  }
0xb2: {  	_ =	swait.ge [sflag:s18], $0x4000  }
0xb3: {  	[sflag:s18] =	ssyncset.done $0x0  }
0xb4: {  	[sflag:s18] =	ssyncadd.s32 $0xFFFFC000  }
0xb5: {  	[spmem:s3] =	stream.indirect.scatter.add.f32 [tilespmem:s16], [sflag:$0x3], $0x80, s21, s15, $0xb8;
	[tilespmem:$0x1F000] =	vst v63  }
0xb6: {  	_ =	swait.ge [sflag:s13], $0x4000  }
0xb7: {  	[sflag:s13] =	ssyncset.done $0x0  }
0xb8: {  	[sflag:s13] =	ssyncadd.s32 $0xFFFFC000  }
0xb9: {  	_ =	swait.ge [sflag:s19], $0x4000  }
0xba: {  	[sflag:s19] =	ssyncset.done $0x0  }
0xbb: {  	[sflag:s19] =	ssyncadd.s32 $0xFFFFC000  }
0xbc: {  	[spmem:s3] =	stream.indirect.scatter.add.f32 [tilespmem:s17], [sflag:$0x3], $0x80, s22, s15, $0xb8;
	[tilespmem:$0x1F000] =	vst v63  }
0xbd: {  	_ =	swait.ge [sflag:s13], $0x4000  }
0xbe: {  	s30 =	sshll.u32 s0, $0x6;
	s4 =	sadd.s32 $0x1, s4;
	[sflag:s13] =	ssyncset.done $0x0  }
0xbf: {  	s31 =	sshrl.u32 s5, $0x3;
	p0 =	sne.s32 s4, s7;
	[sflag:s13] =	ssyncadd.s32 $0xFFFFC000  }
.Ltmp4:
0xc0: {  	s23 =	sor.u32 $0x1C03, s30;
	[bflag:$0x0] =	sbarrier.arrive $0xFFFF;
	(pc) =	sbr.rel @p0 .LBB2_1-.Ltmp4, $4  }
0xc1: {  	[hbm:s6], [sflag:s23] =	dma.local [spmem:s31], $0x2800  }
0xc2: {  	_ =	swait.ge [sflag:s13], $0x2800  }
0xc3: {  	[sflag:s13] =	ssyncset.done $0x0  }
0xc4: {  	[sflag:s13] =	ssyncadd.s32 $0xFFFFD800  }
0xc5: {  	_ =	sfence.sel $0x180000  }
0xc6: {  	[bflag:$0x0] =	sbarrier.arrive $0xFFFF  }
0xc7: {  	p0 =	sne.s32 s0, $0x0;
	_ =	strace $0x9000004D  }
0xc8: {  	s0 =	sadd.s32 @!p0 $0x100000, s2;
	[bflag:$0x2] =	sbarrier.arrive $0xFFFF  }
0xc9: {  	[sflag:s0] =	ssyncadd.tile.s32 @!p0 $0x1;
	_ =	shalt  }
.Lfunc_end2:
_tile_overlayer_lowered:
.L_overlay_start_2:
0xca: {  	(tag) =	ssettag $0x2  }
0xcb: {  	s0 =	rddreg [dreg:$0x0];
	s2 =	stileid.u32  }
0xcc: {  	s1 =	rddreg [dreg:$0x1];
	p0 =	sne.s32 s2, $0x0  }
0xcd: {  	s3 =	rddreg [dreg:$0x2];
	[bflag:$0x3] =	sbarrier.arrive $0xFFFF;
	s2 =	simm.s32 @!p0 $0x1C03  }
0xce: {  	[timem:s3], [sflag:s2] =	dma.local @!p0 [hbm:s0], s1  }
0xcf: {  	s0 =	simm.s32 @!p0 $0x3  }
0xd0: {  	_ =	swait.ge @!p0 [sflag:s0], s1  }
0xd1: {  	s1 =	ssub.s32 @!p0 $0x0, s1;
	[sflag:s0] =	ssyncset.done @!p0 $0x0  }
0xd2: {  	[sflag:s0] =	ssyncadd.s32 @!p0 s1  }
0xd3: {  	[bflag:$0x3] =	sbarrier.arrive $0xFFFF  }
0xd4: {  	_ =	shalt  }

// kernel: kernel.8.cloned.1.call-start
scs
__scs_entry_jumppad:
0x0: {  	(pc) =	sbr.rel $0x88, $3  }
0x1: {  	(tag) =	ssettag $0x0;
	lr =	simm.s32 $0x1  }
0x2: {  	[smem:$0x3F95] =	sst lr;
	_ =	strace $0xD0000000  }
0x3: {  	_ = 	snop  }
0x4: {  	_ = 	snop  }
0x5: {  	_ = 	snop  }
0x6: {  	_ = 	snop  }
0x7: {  	_ = 	snop  }
__scs_overlays_trampoline_lowered:
0x8: {  	[smem:$0x3FA4] =	sst s0  }
0x9: {  	[smem:$0x3FA5] =	sst s1  }
0xa: {  	[smem:$0x3FA6] =	sst s2  }
0xb: {  	[smem:$0x3FA7] =	sst s3  }
0xc: {  	[smem:$0x3FA8] =	sst s4  }
0xd: {  	[smem:$0x3FA9] =	sst s5  }
0xe: {  	[smem:$0x3FAA] =	sst s6  }
0xf: {  	[smem:$0x3FAB] =	sst s7  }
0x10: {  	[smem:$0x3FAC] =	sst s8  }
0x11: {  	[smem:$0x3FAD] =	sst s9;
	s0 =	simm.s32 @!p0 $0x0  }
0x12: {  	s1 =	sld [smem:$0x3F93];
	s0 =	simm.s32 @p0 $0x1  }
0x13: {  	[smem:$0x3FAE] =	sst s0;
	s0 =	simm.s32 @!p1 $0x0  }
0x14: {  	s2 =	sld [smem:$0x3F92];
	s0 =	simm.s32 @p1 $0x1  }
0x15: {  	[smem:$0x3FAF] =	sst s0;
	s0 =	simm.s32 @!p2 $0x0  }
0x16: {  	s3 =	sld [smem:$0x3FDB];
	s0 =	simm.s32 @p2 $0x1  }
0x17: {  	s4 =	simm.s32 $0x1BF5;
	[smem:$0x3FB1] =	sst s0  }
0x18: {  	s0 =	sld [smem:$0x3F94];
	_ =	swait.ge [sflag:s4], $0x0  }
0x19: {  	s7 =	sld [smem:$0x3F95]  }
0x1a: {  	s8 =	sadd.s32 $0xFFFFE003, lr  }
0x1b: {  	s9 =	sadd.s32 $0xFFFFFEF7, lr;
	s5 =	simm.s32 $0xFFFFFFFF;
	p2 =	slt.u32 s8, $0xFFFFF086  }
0x1c: {  	p1 =	slt.u32 s9, $0xF7A;
	s5 =	simm.s32 @!p2 $0x0  }
0x1d: {  	s5 =	simm.s32 @p1 $0x1;
	p0 =	seq.s32 s7, s2  }
0x1e: {  	s7 =	smul.u32 @!p0 $0xF7A, s2;
	p2 =	seq.s32 @!p0 s5, $0x0  }
0x1f: {  	s9 =	smul.u32 $0xF7A, s1;
	s8 =	simm.s32 @!p0 $0x1BF5;
	p2 =	por !p2, p0  }
0x20: {  	[sflag:s8] =	ssyncset.s32 @!p0 $0xFFFFF086;
	s6 =	sadd.s32 @!p0 s3, s7;
	s7 =	simm.s32 @!p0 $0x108  }
0x21: {  	s3 =	sadd.s32 s3, s9;
	s6 =	sadd.s32 @!p0 $0x88, s6;
	s7 =	simm.s32 @p2 $0x1082  }
0x22: {  	[simem:s7], [sflag:s8] =	dma.local @!p0 [hbm:s6], $0xF7A  }
0x23: {  	s9 =	sor.u32 $0xD0000000, s2;
	s6 =	simm.s32 $0x108;
	_ =	swait.ge @!p0 [sflag:s8], $0x0  }
0x24: {  	s3 =	sadd.s32 $0x88, s3;
	s6 =	simm.s32 @!p1 $0x1082;
	[sflag:s4] =	ssyncset.s32 $0xFFFFF086  }
0x25: {  	[simem:s6], [sflag:s4] =	dma.local [hbm:s3], $0xF7A  }
0x26: {  	[smem:$0x3F95] =	sst s1;
	(tag) =	ssettag s2;
	_ =	strace s9  }
0x27: {  	s1 =	sld [smem:$0x3FA5]  }
0x28: {  	s2 =	sld [smem:$0x3FA6]  }
0x29: {  	s4 =	sld [smem:$0x3FA8]  }
0x2a: {  	p0 =	seq.s32 s5, $0x0;
	s5 =	sld [smem:$0x3FA9]  }
0x2b: {  	s6 =	sld [smem:$0x3FAA]  }
0x2c: {  	s7 =	sld [smem:$0x3FAB]  }
0x2d: {  	s3 =	simm.s32 $0x108;
	s8 =	sld [smem:$0x3FAC]  }
0x2e: {  	s3 =	simm.s32 @!p0 $0x1082;
	s9 =	sld [smem:$0x3FAD]  }
0x2f: {  	lr =	sadd.s32 s0, s3;
	s0 =	sld [smem:$0x3FA4]  }
0x30: {  	s3 =	sld [smem:$0x3FA7]  }
0x31: {  	[smem:$0x3FB0] =	sst s10  }
0x32: {  	s10 =	sld [smem:$0x3FAE];
	_ =	sdelay $0x3  }
0x33: {  	p0 =	seq.s32 s10, $0x1;
	s10 =	sld [smem:$0x3FB0];
	_ =	sdelay $0x3  }
0x34: {  	[smem:$0x3FB0] =	sst s10  }
0x35: {  	s10 =	sld [smem:$0x3FAF];
	_ =	sdelay $0x3  }
0x36: {  	p1 =	seq.s32 s10, $0x1;
	s10 =	sld [smem:$0x3FB0];
	_ =	sdelay $0x3  }
0x37: {  	[smem:$0x3FB0] =	sst s10  }
0x38: {  	s10 =	sld [smem:$0x3FB1]  }
0x39: {  	_ = 	snop;
	(pc) =	sbr.ind lr, $3  }
0x3a: {  	_ = 	snop  }
0x3b: {  	_ = 	snop  }
0x3c: {  	p2 =	seq.s32 s10, $0x1;
	s10 =	sld [smem:$0x3FB0]  }
0x3d: {  	_ =	shalt  }
0x3e: {  	_ =	shalt  }
0x3f: {  	_ =	shalt  }
0x40: {  	_ =	shalt  }
0x41: {  	_ =	shalt  }
0x42: {  	_ =	shalt  }
0x43: {  	_ =	shalt  }
0x44: {  	_ =	shalt  }
0x45: {  	_ =	shalt  }
0x46: {  	_ =	shalt  }
0x47: {  	_ =	shalt  }
0x48: {  	_ =	shalt  }
0x49: {  	_ =	shalt  }
0x4a: {  	_ =	shalt  }
0x4b: {  	_ =	shalt  }
0x4c: {  	_ =	shalt  }
0x4d: {  	_ =	shalt  }
0x4e: {  	_ =	shalt  }
0x4f: {  	_ =	shalt  }
0x50: {  	_ =	shalt  }
0x51: {  	_ =	shalt  }
0x52: {  	_ =	shalt  }
0x53: {  	_ =	shalt  }
0x54: {  	_ =	shalt  }
0x55: {  	_ =	shalt  }
0x56: {  	_ =	shalt  }
0x57: {  	_ =	shalt  }
0x58: {  	_ =	shalt  }
0x59: {  	_ =	shalt  }
0x5a: {  	_ =	shalt  }
0x5b: {  	_ =	shalt  }
0x5c: {  	_ =	shalt  }
0x5d: {  	_ =	shalt  }
0x5e: {  	_ =	shalt  }
0x5f: {  	_ =	shalt  }
0x60: {  	_ =	shalt  }
0x61: {  	_ =	shalt  }
0x62: {  	_ =	shalt  }
0x63: {  	_ =	shalt  }
0x64: {  	_ =	shalt  }
0x65: {  	_ =	shalt  }
0x66: {  	_ =	shalt  }
0x67: {  	_ =	shalt  }
0x68: {  	_ =	shalt  }
0x69: {  	_ =	shalt  }
0x6a: {  	_ =	shalt  }
0x6b: {  	_ =	shalt  }
0x6c: {  	_ =	shalt  }
0x6d: {  	_ =	shalt  }
0x6e: {  	_ =	shalt  }
0x6f: {  	_ =	shalt  }
0x70: {  	_ =	shalt  }
0x71: {  	_ =	shalt  }
0x72: {  	_ =	shalt  }
0x73: {  	_ =	shalt  }
0x74: {  	_ =	shalt  }
0x75: {  	_ =	shalt  }
0x76: {  	_ =	shalt  }
0x77: {  	_ =	shalt  }
0x78: {  	_ =	shalt  }
0x79: {  	_ =	shalt  }
0x7a: {  	_ =	shalt  }
0x7b: {  	_ =	shalt  }
0x7c: {  	_ =	shalt  }
0x7d: {  	_ =	shalt  }
0x7e: {  	_ =	shalt  }
0x7f: {  	_ =	shalt  }
0x80: {  	_ =	shalt  }
0x81: {  	_ =	shalt  }
0x82: {  	_ =	shalt  }
0x83: {  	_ =	shalt  }
0x84: {  	_ =	shalt  }
0x85: {  	_ =	shalt  }
0x86: {  	_ =	shalt  }
0x87: {  	_ =	shalt  }
.Lfunc_end0:
.L_simem_size_0:
called_computation_lowered:
.L_overlay_start_0:
0x88: {  	s2 =	sld [smem:$0x3FD9]  }
0x89: {  	s3 =	sld [smem:$0x3FFE];
	_ =	sdelay $0x1  }
0x8a: {  	s1 =	srdreg.scid  }
0x8b: {  	s0 =	sand.u32 $0x1, s1  }
0x8c: {  	s17 =	sshll.u32 s0, $0xA;
	s2 =	sadd.s32 s3, s2  }
0x8d: {  	s2 =	sadd.s32 s2, s17  }
0x8e: {  	[smem:$0x3FBC] =	sst s2  }
0x8f: {  	_ = 	snop  }
0x90: {  	(tm) =	ssettm $0x1  }
0x91: {  	s18 =	sld [smem:$0x3FFB];
	_ =	sdelay $0x3  }
0x92: {  	_ =	strace s18  }
0x93: {  	s2 =	sld [smem:$0x3FFC];
	_ =	sdelay $0x3  }
0x94: {  	_ =	strace s2  }
0x95: {  	s2 =	sld [smem:$0x3FFD];
	_ =	sdelay $0x3  }
0x96: {  	_ =	strace s2  }
0x97: {  	_ =	strace $0x8FFFFFFF  }
0x98: {  	s19 =	sld [smem:$0x3FDB];
	_ =	sdelay $0x1  }
0x99: {  	s20 =	simm.s32 $_scs_section_size  }
0x9a: {  	s4 =	simm.s32 $_size__tile_overlayer_lowered;
	s5 =	simm.s32 $_tile_overlayer_lowered  }
0x9b: {  	s6 =	simm.s32 $0x1BFF;
	s21 =	sshll.u32 s5, $0x1;
	s3 =	sadd.s32 s20, s19  }
0x9c: {  	s22 =	simm.s32 $0x0;
	s4 =	sshll.u32 s4, $0x1;
	s5 =	sadd.s32 s21, s3  }
0x9d: {  	[timem:s22], [sflag:s6] =	dma.local [hbm:s5], s4  }
0x9e: {  	_ =	swait.ge [sflag:s6], s4  }
0x9f: {  	s4 =	ssub.s32 $0x0, s4;
	[sflag:s6] =	ssyncset.done $0x0  }
0xa0: {  	[sflag:s6] =	ssyncadd.s32 s4;
	_ =	sdelay $0x1  }
0xa1: {  	s23 =	simm.s32 $0x1B8B  }
0xa2: {  	_ =	swait.ge [sflag:s23], $0x1  }
0xa3: {  	[sflag:s23] =	ssyncset.done $0x0  }
0xa4: {  	[sflag:s23] =	ssyncadd.s32 $0xFFFFFFFF  }
0xa5: {  	s4 =	sld [smem:$0x0]  }
0xa6: {  	s5 =	sand.u32 $0xFFFFFFFE, s1  }
0xa7: {  	p0 =	sne.s32 s1, s5  }
0xa8: {  	s5 =	sshll.u32 @p0 s5, $0xE  }
0xa9: {  	s5 =	sadd.s32 @p0 $0x11B8D, s5;
	s6 =	sshll.u32 @p0 s4, $0x11  }
0xaa: {  	s5 =	sor.u32 @p0 s6, s5  }
0xab: {  	[sflag:s5] =	ssyncadd.remote.s32 @p0 $0x1;
	_ =	sdelay $0x1  }
0xac: {  	s5 =	simm.s32 @p0 $0x1B8D  }
0xad: {  	_ =	swait.eq @p0 [sflag:s5], $0x1  }
0xae: {  	[sflag:s5] =	ssyncadd.s32 @p0 $0xFFFFFFFF  }
0xaf: {  	s6 =	sshll.u32 @!p0 s1, $0xE  }
0xb0: {  	s6 =	sor.u32 @!p0 $0x4000, s6;
	s5 =	simm.s32 @!p0 $0x1B8D  }
0xb1: {  	s4 =	sshll.u32 @!p0 s4, $0x11;
	s6 =	sadd.s32 @!p0 $0x11B8D, s6;
	_ =	swait.eq @!p0 [sflag:s5], $0x1  }
0xb2: {  	s4 =	sor.u32 @!p0 s4, s6;
	[sflag:s5] =	ssyncadd.s32 @!p0 $0xFFFFFFFF  }
0xb3: {  	s25 =	simm.s32 $0x1B8E;
	s24 =	sld [smem:$0x3FFE];
	[sflag:s4] =	ssyncadd.remote.s32 @!p0 $0x1  }
0xb4: {  	s26 =	simm.s32 $execute0_lowered;
	[smem:$0x3FD2] =	sst s25  }
0xb5: {  	s5 =	sshll.u32 s26, $0x1;
	_ =	strace $0x80000049;
	[dreg:$0x1] =	wrdreg $0xFFFFFFFF  }
0xb6: {  	s28 =	simm.s32 $_size_execute0_lowered;
	s3 =	sadd.s32 s3, s5;
	[dreg:$0x0] =	wrdreg $0x0  }
0xb7: {  	s5 =	sshll.u32 s28, $0x1;
	[dreg:$0x2] =	wrdreg s3  }
0xb8: {  	[dreg:$0x3] =	wrdreg s5  }
0xb9: {  	[dreg:$0x4] =	wrdreg $0xC0  }
0xba: {  	_ =	task [dreg:s22], $0x5FFFF  }
0xbb: {  	[dreg:$0x1] =	wrdreg $0xFFFFFFFF  }
0xbc: {  	[dreg:$0x0] =	wrdreg $0x60  }
0xbd: {  	[dreg:$0x2] =	wrdreg s24  }
0xbe: {  	[dreg:$0x3] =	wrdreg $0x70000  }
0xbf: {  	[dreg:$0x4] =	wrdreg $0x9  }
0xc0: {  	_ =	task.clear_ibuf [dreg:s22], $0x5FFFF;
	_ =	strace $0x90000049  }
0xc1: {  	s29 =	simm.s32 $0x9;
	_ =	strace $0x8000004B  }
0xc2: {  	_ =	swait.ge [sflag:s29], $0x1  }
0xc3: {  	[sflag:s29] =	ssyncadd.s32 $0xFFFFFFFF  }
0xc4: {  	_ =	strace $0x9000004B  }
0xc5: {  	_ =	sfence  }
0xc6: {  	s30 =	sld [smem:$0x0];
	_ =	sdelay $0x2  }
0xc7: {  	s31 =	sshll.u32 s1, $0xD;
	s1 =	sshrl.u32 s1, $0x2  }
0xc8: {  	s4 =	sand.u32 $0x4000, s31;
	s1 =	sadd.s32 s1, s30  }
0xc9: {  	s0 =	sor.u32 s4, s0;
	s1 =	sshll.u32 s1, $0x11  }
0xca: {  	s0 =	sor.u32 s1, s0  }
0xcb: {  	s0 =	sadd.s32 $0x8F2B, s0  }
0xcc: {  	[sflag:s0] =	ssyncadd.remote.s32 $0x1  }
0xcd: {  	_ =	sfence.sel $0xFFFF  }
0xce: {  	[dreg:$0x0] =	wrdreg $0xFFFFFFFF;
	(pc) =	sbr.abs _section_cstart, $3  }
0xcf: {  	[dreg:$0x1] =	wrdreg $0xFFFFFFFF  }
0xd0: {  	_ =	task.clear_ibuf [dreg:s22], $0x2FFFF;
	_ =	strace $0x9FFFFFFF  }
0xd1: {  	(tm) =	ssettm $0x7FFFFFFF  }
tec
execute0_lowered:
.L_overlay_start_1:
0x0: {  	(tag) =	ssettag $0x1  }
0x1: {  	s4 =	rddreg [dreg:$0x0]  }
0x2: {  	s2 =	rddreg [dreg:$0x1]  }
0x3: {  	s0 =	srdreg.scid;
	s1 =	rddreg [dreg:$0x2];
	s3 =	simm.s32 $0x0  }
0x4: {  	s10 =	simm.s32 $0x80;
	s5 =	sand.u32 $0x1, s0;
	s0 =	stileid.u32  }
0x5: {  	s11 =	simm.s32 $0x2800;
	[smem:$0x7FF] =	sst s3;
	s6 =	smul.u32 $0x140000, s5  }
0x6: {  	s7 =	smul.u32 $0x14000, s0;
	s8 =	sshll.u32 s5, $0x4;
	_ =	strace $0x8000004A  }
0x7: {  	s31 =	smul.u32 $0x50000, s0;
	s5 =	ssub.s32 $0x2, s5;
	s8 =	sor.u32 s0, s8  }
0x8: {  	s12 =	sshll.u32 s0, $0x6;
	s9 =	sshrl.u32 s5, $0x1;
	s30 =	smul.u32 $0x2800, s8  }
0x9: {  	s12 =	sor.u32 $0x1C01, s12;
	s6 =	sadd.s32 s7, s6;
	s8 =	sshrl.u32 s31, $0x2  }
0xa: {  	s9 =	ssub.s32 s5, s9;
	s6 =	sshrl.u32 s6, $0x3;
	s7 =	sshrl.u32 s30, $0x3  }
0xb: {  	s6 =	sadd.s32 s6, s4;
	s7 =	sadd.s32 s4, s7;
	s4 =	sadd.s32 s8, s2  }
0xc: {  	s6 =	sadd.s32 $0x67C00, s6;
	s8 =	simm.s32 $0x6800;
	s5 =	sadd.s32 $0xDC00, s7  }
0xd: {  	v0 =	vimm.f32 $1.000000000e+00;
	v1 =	vimm.f32 $0.0e+00;
	s7 =	smax.u32 s9, $0x1;
	s9 =	simm.s32 $0x1;
	s13 =	sshrl.u32 s4, $0x3  }
.LBB2_1:
0xe: {  	s14 =	simm.s32 $0x0;
	s15 =	simm.s32 $0x200  }
.LBB2_2:
0xf: {  	p0 =	sne.s32 s15, $0xFE00;
	[tilespmem:s14+$0x2870] =	vst v0  }
0x10: {  	[tilespmem:s14+$0x2800] =	vst v0  }
0x11: {  	[tilespmem:s14+$0x2810] =	vst v0  }
.Ltmp0:
0x12: {  	[tilespmem:s14+$0x2820] =	vst v0;
	(pc) =	sbr.rel @p0 .LBB2_2-.Ltmp0, $4  }
0x13: {  	[tilespmem:s14+$0x2830] =	vst v0  }
0x14: {  	[tilespmem:s14+$0x2840] =	vst v0  }
0x15: {  	[tilespmem:s14+$0x2850] =	vst v0  }
0x16: {  	[tilespmem:s14+$0x2860] =	vst v0;
	s14 =	sshra.s32 s15, $0x2;
	s15 =	sadd.s32 $0x200, s15  }
0x17: {  	[tilespmem:s14+$0x2870] =	vst v0  }
0x18: {  	[tilespmem:s14+$0x2800] =	vst v0  }
0x19: {  	[tilespmem:s14+$0x2810] =	vst v0  }
0x1a: {  	[tilespmem:s14+$0x2820] =	vst v0  }
0x1b: {  	[tilespmem:s14+$0x2830] =	vst v0  }
0x1c: {  	[tilespmem:s14+$0x2840] =	vst v0  }
0x1d: {  	[tilespmem:s14+$0x2850] =	vst v0  }
0x1e: {  	[tilespmem:s14+$0x2860] =	vst v0;
	s14 =	simm.s32 $0x0;
	s15 =	simm.s32 $0x200  }
.LBB2_4:
0x1f: {  	p0 =	sne.s32 s15, $0x1E00;
	[tilespmem:s14+$0x6870] =	vst v1  }
0x20: {  	[tilespmem:s14+$0x6800] =	vst v1  }
0x21: {  	[tilespmem:s14+$0x6810] =	vst v1  }
.Ltmp1:
0x22: {  	[tilespmem:s14+$0x6820] =	vst v1;
	(pc) =	sbr.rel @p0 .LBB2_4-.Ltmp1, $4  }
0x23: {  	[tilespmem:s14+$0x6830] =	vst v1  }
0x24: {  	[tilespmem:s14+$0x6840] =	vst v1  }
0x25: {  	[tilespmem:s14+$0x6850] =	vst v1  }
0x26: {  	[tilespmem:s14+$0x6860] =	vst v1;
	s14 =	sshra.s32 s15, $0x2;
	s15 =	sadd.s32 $0x200, s15  }
0x27: {  	[tilespmem:s14+$0x6870] =	vst v1  }
0x28: {  	[tilespmem:s14+$0x6800] =	vst v1  }
0x29: {  	[tilespmem:s14+$0x6810] =	vst v1  }
0x2a: {  	[tilespmem:s14+$0x6820] =	vst v1  }
0x2b: {  	[tilespmem:s14+$0x6830] =	vst v1  }
0x2c: {  	[tilespmem:s14+$0x6840] =	vst v1  }
0x2d: {  	[tilespmem:s14+$0x6850] =	vst v1  }
0x2e: {  	[tilespmem:s14+$0x6860] =	vst v1;
	s31 =	sadd.s32 $0x0, s4  }
0x2f: {  	[spmem:s31] =	stream.linear.scatter [tilespmem:s8], [sflag:$0x1], $0x800, $0x38;
	[tilespmem:$0x1B000] =	vst v63  }
0x30: {  	s14 =	simm.s32 $0x2000;
	_ =	swait.ge [sflag:s9], $0x800  }
.LBB2_6:
0x31: {  	s15 =	sshra.s32 s14, $0x2;
	[sflag:s9] =	ssyncset.done $0x0;
	p0 =	sne.s32 s14, $0x4E000  }
.Ltmp2:
0x32: {  	s15 =	sadd.s32 s15, s4;
	[sflag:s9] =	ssyncadd.s32 $0xFFFFF800;
	(pc) =	sbr.rel @p0 .LBB2_6-.Ltmp2, $3  }
0x33: {  	[spmem:s15] =	stream.linear.scatter [tilespmem:s8], [sflag:$0x1], $0x800, $0x38;
	[tilespmem:$0x1B000] =	vst v63  }
0x34: {  	s14 =	sadd.s32 $0x2000, s14;
	_ =	sdelay $0x1  }
0x35: {  	_ =	swait.ge [sflag:s9], $0x800  }
0x36: {  	[sflag:s9] =	ssyncset.done $0x0  }
0x37: {  	s14 =	simm.s32 $0x0;
	[sflag:s9] =	ssyncadd.s32 $0xFFFFF800  }
0x38: {  	[tilespmem:s14], [sflag:$0x1] =	stream.linear.gather [hbm4b:s5+s14], $0x2800, $0x38;
	[tilespmem:$0x1B000] =	vst v63  }
0x39: {  	_ =	swait.ge [sflag:s9], $0x2800  }
0x3a: {  	[sflag:s9] =	ssyncset.done $0x0  }
0x3b: {  	[sflag:s9] =	ssyncadd.s32 $0xFFFFD800  }
0x3c: {  	s31 =	simm.s32 $0x0;
	[bflag:$0x0] =	sbarrier.arrive $0xFFFF  }
0x3d: {  	[spmem:s2] =	stream.indirect.scatter.add.f32 [tilespmem:s11], [sflag:$0x1], $0x80, s31, s10, $0xb8;
	[tilespmem:$0x1B000] =	vst v63  }
0x3e: {  	_ =	swait.ge [sflag:s9], $0x4000  }
0x3f: {  	s14 =	simm.s32 $0x200;
	[sflag:s9] =	ssyncset.done $0x0  }
.LBB2_8:
0x40: {  	s15 =	sshra.s32 s14, $0x2;
	[sflag:s9] =	ssyncadd.s32 $0xFFFFC000;
	p0 =	sne.s32 s14, $0x9E00  }
0x41: {  	[spmem:s2] =	stream.indirect.scatter.add.f32 [tilespmem:s11], [sflag:$0x1], $0x80, s15, s10, $0xb8;
	[tilespmem:$0x1B000] =	vst v63  }
.Ltmp3:
0x42: {  	_ = 	snop;
	(pc) =	sbr.rel @p0 .LBB2_8-.Ltmp3, $4  }
0x43: {  	_ = 	snop  }
0x44: {  	s14 =	sadd.s32 $0x200, s14  }
0x45: {  	_ =	swait.ge [sflag:s9], $0x4000  }
0x46: {  	[sflag:s9] =	ssyncset.done $0x0  }
0x47: {  	s3 =	sadd.s32 $0x1, s3  }
0x48: {  	[sflag:s9] =	ssyncadd.s32 $0xFFFFC000;
	p0 =	sne.s32 s3, s7  }
.Ltmp4:
0x49: {  	[bflag:$0x0] =	sbarrier.arrive $0xFFFF;
	(pc) =	sbr.rel @p0 .LBB2_1-.Ltmp4, $4  }
0x4a: {  	[hbm:s6], [sflag:s12] =	dma.local [spmem:s13], $0x2800  }
0x4b: {  	_ =	swait.ge [sflag:s9], $0x2800  }
0x4c: {  	[sflag:s9] =	ssyncset.done $0x0  }
0x4d: {  	[sflag:s9] =	ssyncadd.s32 $0xFFFFD800  }
0x4e: {  	_ =	sfence.sel $0x180000  }
0x4f: {  	[bflag:$0x0] =	sbarrier.arrive $0xFFFF  }
0x50: {  	p0 =	sne.s32 s0, $0x0;
	_ =	strace $0x9000004A  }
0x51: {  	s0 =	sadd.s32 @!p0 $0x100000, s1;
	[bflag:$0x2] =	sbarrier.arrive $0xFFFF  }
0x52: {  	[sflag:s0] =	ssyncadd.tile.s32 @!p0 $0x1;
	_ =	shalt  }
.Lfunc_end2:
_tile_overlayer_lowered:
.L_overlay_start_2:
0x53: {  	(tag) =	ssettag $0x2  }
0x54: {  	s0 =	rddreg [dreg:$0x0];
	s2 =	stileid.u32  }
0x55: {  	s1 =	rddreg [dreg:$0x1];
	p0 =	sne.s32 s2, $0x0  }
0x56: {  	s3 =	rddreg [dreg:$0x2];
	[bflag:$0x3] =	sbarrier.arrive $0xFFFF;
	s2 =	simm.s32 @!p0 $0x1C01  }
0x57: {  	[timem:s3], [sflag:s2] =	dma.local @!p0 [hbm:s0], s1  }
0x58: {  	s0 =	simm.s32 @!p0 $0x1  }
0x59: {  	_ =	swait.ge @!p0 [sflag:s0], s1  }
0x5a: {  	s1 =	ssub.s32 @!p0 $0x0, s1;
	[sflag:s0] =	ssyncset.done @!p0 $0x0  }
0x5b: {  	[sflag:s0] =	ssyncadd.s32 @!p0 s1  }
0x5c: {  	[bflag:$0x3] =	sbarrier.arrive $0xFFFF  }
0x5d: {  	_ =	shalt  }

</sc_bundles>
